<compile_context>
chip_gen: v7x
topology: tpu7x:2x2x1
jax: 0.10.2.dev20260603
libtpu: 0.0.44.dev20260713+nightly
codegen_flags: <defaults>
</compile_context>

<pallas_src>
import jax
import jax.numpy as jnp
from jax import lax
from jax.experimental import pallas as pl
from jax.experimental.pallas import tpu as pltpu
from jax.experimental.pallas import tpu_sc as plsc

NC, NS, LANES = 2, 16, 16
NW = NC * NS
LT = 128
LTP = LT + 1
NBUF = 4
LOOKAHEAD = 2


def _emb_body(x_hbm, tab_hbm, pos_hbm, out_hbm,
              idx_all, r0, r1, r2, r3, t0, t1, t2, t3, pos_v,
              g0, g1, g2, g3, w0, w1, w2, w3):
    rows = [r0, r1, r2, r3]
    pads = [t0, t1, t2, t3]
    gsem = [g0, g1, g2, g3]
    wsem = [w0, w1, w2, w3]

    wid = lax.axis_index("s") * NC + lax.axis_index("c")
    batch = out_hbm.shape[0]
    seq = pos_hbm.shape[0]
    emb = tab_hbm.shape[1]
    ltiles = seq // LT
    batches_per_w = batch // NW
    nblocks = batches_per_w * ltiles
    base_b = wid * batches_per_w

    iota = lax.iota(jnp.int32, LANES)
    ehi = [(iota + k * LANES) // 8 for k in range(emb // LANES)]
    elo = [(iota + k * LANES) % 8 for k in range(emb // LANES)]

    pltpu.sync_copy(pos_hbm, pos_v)

    def transpose_add(src, dst, pos_off):
        @plsc.parallel_loop(0, LT, unroll=4)
        def l_body(l):
            lsplat = jnp.full((LANES,), l, dtype=jnp.int32)
            for k in range(emb // LANES):
                sl = pl.ds(k * LANES, LANES)
                vals = src[l, sl] + pos_v[pos_off + l, sl]
                plsc.store_scatter(dst, [ehi[k], elo[k], lsplat], vals)

    def block_coords(q, r):
        return base_b + q, r

    pltpu.sync_copy(x_hbm.at[pl.ds(base_b // 8, batches_per_w // 8)], idx_all)

    def start_gather(q, lt, slot):
        pltpu.async_copy(tab_hbm.at[idx_all.at[q // 8, lt, q % 8]],
                         rows[slot], gsem[slot])

    for b in range(LOOKAHEAD):
        start_gather(0, b, b)

    def ring(i, carry):
        for b in range(NBUF):
            c = i * NBUF + b
            s = b
            sp = (b + LOOKAHEAD) % NBUF

            @pl.when(c + LOOKAHEAD < nblocks)
            def _():
                @pl.when(c >= NBUF - LOOKAHEAD)
                def _():
                    wb, wlt = block_coords(i + (b + LOOKAHEAD - NBUF) // NBUF,
                                           sp)
                    pltpu.make_async_copy(
                        pads[sp].at[:, :, pl.ds(0, LT)],
                        out_hbm.at[wb, :, wlt], wsem[sp]).wait()
                start_gather(i + (b + LOOKAHEAD) // NBUF, sp, sp)

            pltpu.make_async_copy(tab_hbm.at[idx_all.at[i // 8, b, i % 8]],
                                  rows[s], gsem[s]).wait()
            bb, lt = block_coords(i, b)
            transpose_add(rows[s], pads[s], lt * LT)
            pltpu.async_copy(pads[s].at[:, :, pl.ds(0, LT)],
                             out_hbm.at[bb, :, lt], wsem[s])
        return carry

    lax.fori_loop(0, nblocks // NBUF, ring, 0)

    for b in range(NBUF):
        bb, lt = block_coords(nblocks // NBUF - 1, b)
        pltpu.make_async_copy(pads[b].at[:, :, pl.ds(0, LT)],
                              out_hbm.at[bb, :, lt], wsem[b]).wait()


def kernel(x, embed_w, pos_w):
    batch, seq = x.shape
    _, emb = embed_w.shape
    et, ltiles = emb // 8, seq // LT
    mesh = plsc.VectorSubcoreMesh(
        core_axis_name="c", subcore_axis_name="s",
        num_cores=NC, num_subcores=NS,
    )
    xphys = x.reshape(batch // 8, 8, ltiles, LT).transpose(0, 2, 1, 3)
    phys = pl.kernel(
        _emb_body,
        out_type=jax.ShapeDtypeStruct((batch, et, ltiles, 8, LT), jnp.float32),
        mesh=mesh,
        compiler_params=pltpu.CompilerParams(
            use_tc_tiling_on_sc=False, needs_layout_passes=False),
        scratch_types=(
            [pltpu.VMEM((batch // NW // 8, ltiles, 8, LT), jnp.int32)]
            + [pltpu.VMEM((LT, emb), jnp.float32) for _ in range(NBUF)]
            + [pltpu.VMEM((et, 8, LTP), jnp.float32) for _ in range(NBUF)]
            + [pltpu.VMEM((seq, emb), jnp.float32)]
            + [pltpu.SemaphoreType.DMA for _ in range(2 * NBUF)]
        ),
    )(xphys, embed_w, pos_w)
    return phys.transpose(0, 2, 4, 1, 3).reshape(batch, seq, emb)

# --- scband reference (transcript-rebuilt; emitter-appended) ---
"""Pipeline reference for scband-embedder-52570399703361 (READ-ONLY COPY).

The authoritative reference and input builder live on the scoring server;
editing this copy changes nothing except your own understanding.
"""

import jax, jax.numpy as jnp
import numpy as np

VOCAB = 100000
MAX_SEQ = 512
EMB = 64
PAD = 0
BATCH = 1024


def setup_inputs(seed: int = 0) -> dict:
    key = jax.random.key(seed)
    k1, k2, k3 = jax.random.split(key, 3)
    x = jax.random.randint(k1, (BATCH, MAX_SEQ), 0, VOCAB, dtype=jnp.int64 if jax.config.jax_enable_x64 else jnp.int32)
    embed_w = jax.random.normal(k2, (VOCAB, EMB), dtype=jnp.float32) * 0.02
    embed_w = embed_w.at[PAD].set(0.0)  # padding_idx row is zero-initialized in torch
    pos_w = jax.random.normal(k3, (MAX_SEQ, EMB), dtype=jnp.float32) * 0.02
    pos_w = pos_w.at[PAD].set(0.0)  # padding_idx row is zero-initialized in torch
    return {"x": x, "embed_w": embed_w, "pos_w": pos_w}


def reference(x, embed_w, pos_w):
    # torch: self.embed(x) + self.embed_pos.weight
    tok = jnp.take(embed_w, x, axis=0)          # [B, L, E] gather (SparseCore embedding lookup)
    return tok + pos_w                           # broadcast [L, E] over batch

if __name__ == "__main__":
    import jax
    _d = setup_inputs()
    print(jax.jit(kernel)(*tuple(_d.values())))

</pallas_src>

<mosaic_0001>
#map = affine_map<(d0, d1) -> (0, 0, 0, 0)>
#map1 = affine_map<(d0, d1) -> (0, 0)>
#map2 = affine_map<(d0, d1) -> (0, 0, 0, 0, 0)>
module attributes {stable_mosaic.version = 14 : i64} {
  func.func @_emb_body(%arg0: i32, %arg1: i32, %arg2: memref<128x4x8x128xi32, #tpu.memory_space<hbm>>, %arg3: memref<100000x64xf32, #tpu.memory_space<hbm>>, %arg4: memref<512x64xf32, #tpu.memory_space<hbm>>, %arg5: memref<1024x8x4x8x128xf32, #tpu.memory_space<hbm>>, %arg6: memref<4x4x8x128xi32, #tpu.memory_space<vmem>>, %arg7: memref<128x64xf32, #tpu.memory_space<vmem>>, %arg8: memref<128x64xf32, #tpu.memory_space<vmem>>, %arg9: memref<128x64xf32, #tpu.memory_space<vmem>>, %arg10: memref<128x64xf32, #tpu.memory_space<vmem>>, %arg11: memref<8x8x129xf32, #tpu.memory_space<vmem>>, %arg12: memref<8x8x129xf32, #tpu.memory_space<vmem>>, %arg13: memref<8x8x129xf32, #tpu.memory_space<vmem>>, %arg14: memref<8x8x129xf32, #tpu.memory_space<vmem>>, %arg15: memref<512x64xf32, #tpu.memory_space<vmem>>, %arg16: memref<!tpu.dma_semaphore, #tpu.memory_space<semaphore_mem>>, %arg17: memref<!tpu.dma_semaphore, #tpu.memory_space<semaphore_mem>>, %arg18: memref<!tpu.dma_semaphore, #tpu.memory_space<semaphore_mem>>, %arg19: memref<!tpu.dma_semaphore, #tpu.memory_space<semaphore_mem>>, %arg20: memref<!tpu.dma_semaphore, #tpu.memory_space<semaphore_mem>>, %arg21: memref<!tpu.dma_semaphore, #tpu.memory_space<semaphore_mem>>, %arg22: memref<!tpu.dma_semaphore, #tpu.memory_space<semaphore_mem>>, %arg23: memref<!tpu.dma_semaphore, #tpu.memory_space<semaphore_mem>>) attributes {dimension_semantics = [#tpu.dimension_semantics<core_parallel>, #tpu.dimension_semantics<subcore_parallel>], iteration_bounds = array<i64: 2, 16>, scalar_prefetch = 0 : i64, scratch_operands = 18 : i64, tpu.core_type = #tpu.core_type<sc_vector_subcore>, window_params = [{transform_indices = #map}, {transform_indices = #map1}, {transform_indices = #map1}, {transform_indices = #map2}]} {
    %mul3A = arith.constant 2 : i32
    %mul3A_0 = arith.muli %arg1, %mul3A : i32
    %add3A = arith.addi %mul3A_0, %arg0 : i32
    %mul3A_1 = arith.constant 32 : i32
    %mul3A_2 = arith.muli %add3A, %mul3A_1 : i32
    %iota3A = tpu.iota {dimensions = array<i32: 0>} : vector<16xi32>
    %add3A_3 = arith.constant 0 : i32
    %add3A_4 = vector.broadcast %add3A_3 : i32 to vector<16xi32>
    %add3A_5 = arith.addi %iota3A, %add3A_4 : vector<16xi32>
    %jit3A = arith.constant 8 : i32
    %div3A = vector.broadcast %jit3A : i32 to vector<16xi32>
    %div3A_6 = arith.divsi %add3A_5, %div3A : vector<16xi32>
    %sign3A = arith.constant 0 : i32
    %sign3A_7 = vector.broadcast %sign3A : i32 to vector<16xi32>
    %sign3A_8 = arith.cmpi sgt, %add3A_5, %sign3A_7 : vector<16xi32>
    %sign3A_9 = arith.extui %sign3A_8 : vector<16xi1> to vector<16xi32>
    %sign3A_10 = arith.constant 0 : i32
    %sign3A_11 = vector.broadcast %sign3A_10 : i32 to vector<16xi32>
    %sign3A_12 = arith.cmpi slt, %add3A_5, %sign3A_11 : vector<16xi32>
    %sign3A_13 = arith.extui %sign3A_12 : vector<16xi1> to vector<16xi32>
    %sign3A_14 = arith.subi %sign3A_9, %sign3A_13 : vector<16xi32>
    %sign3A_15 = arith.constant 0 : i32
    %sign3A_16 = arith.cmpi sgt, %jit3A, %sign3A_15 : i32
    %sign3A_17 = arith.extui %sign3A_16 : i1 to i32
    %sign3A_18 = arith.constant 0 : i32
    %sign3A_19 = arith.cmpi slt, %jit3A, %sign3A_18 : i32
    %sign3A_20 = arith.extui %sign3A_19 : i1 to i32
    %sign3A_21 = arith.subi %sign3A_17, %sign3A_20 : i32
    %ne3A = vector.broadcast %sign3A_21 : i32 to vector<16xi32>
    %ne3A_22 = arith.cmpi ne, %sign3A_14, %ne3A : vector<16xi32>
    %rem3A = vector.broadcast %jit3A : i32 to vector<16xi32>
    %rem3A_23 = arith.remsi %add3A_5, %rem3A : vector<16xi32>
    %ne3A_24 = arith.constant 0 : i32
    %ne3A_25 = vector.broadcast %ne3A_24 : i32 to vector<16xi32>
    %ne3A_26 = arith.cmpi ne, %rem3A_23, %ne3A_25 : vector<16xi32>
    %and3A = arith.andi %ne3A_22, %ne3A_26 : vector<16xi1>
    %sub3A = arith.constant 1 : i32
    %sub3A_27 = vector.broadcast %sub3A : i32 to vector<16xi32>
    %sub3A_28 = arith.subi %div3A_6, %sub3A_27 : vector<16xi32>
    %select_n3A = arith.select %and3A, %sub3A_28, %div3A_6 : vector<16xi1>, vector<16xi32>
    %add3A_29 = arith.constant 16 : i32
    %add3A_30 = vector.broadcast %add3A_29 : i32 to vector<16xi32>
    %add3A_31 = arith.addi %iota3A, %add3A_30 : vector<16xi32>
    %jit3A_32 = arith.constant 8 : i32
    %div3A_33 = vector.broadcast %jit3A_32 : i32 to vector<16xi32>
    %div3A_34 = arith.divsi %add3A_31, %div3A_33 : vector<16xi32>
    %sign3A_35 = arith.constant 0 : i32
    %sign3A_36 = vector.broadcast %sign3A_35 : i32 to vector<16xi32>
    %sign3A_37 = arith.cmpi sgt, %add3A_31, %sign3A_36 : vector<16xi32>
    %sign3A_38 = arith.extui %sign3A_37 : vector<16xi1> to vector<16xi32>
    %sign3A_39 = arith.constant 0 : i32
    %sign3A_40 = vector.broadcast %sign3A_39 : i32 to vector<16xi32>
    %sign3A_41 = arith.cmpi slt, %add3A_31, %sign3A_40 : vector<16xi32>
    %sign3A_42 = arith.extui %sign3A_41 : vector<16xi1> to vector<16xi32>
    %sign3A_43 = arith.subi %sign3A_38, %sign3A_42 : vector<16xi32>
    %sign3A_44 = arith.constant 0 : i32
    %sign3A_45 = arith.cmpi sgt, %jit3A_32, %sign3A_44 : i32
    %sign3A_46 = arith.extui %sign3A_45 : i1 to i32
    %sign3A_47 = arith.constant 0 : i32
    %sign3A_48 = arith.cmpi slt, %jit3A_32, %sign3A_47 : i32
    %sign3A_49 = arith.extui %sign3A_48 : i1 to i32
    %sign3A_50 = arith.subi %sign3A_46, %sign3A_49 : i32
    %ne3A_51 = vector.broadcast %sign3A_50 : i32 to vector<16xi32>
    %ne3A_52 = arith.cmpi ne, %sign3A_43, %ne3A_51 : vector<16xi32>
    %rem3A_53 = vector.broadcast %jit3A_32 : i32 to vector<16xi32>
    %rem3A_54 = arith.remsi %add3A_31, %rem3A_53 : vector<16xi32>
    %ne3A_55 = arith.constant 0 : i32
    %ne3A_56 = vector.broadcast %ne3A_55 : i32 to vector<16xi32>
    %ne3A_57 = arith.cmpi ne, %rem3A_54, %ne3A_56 : vector<16xi32>
    %and3A_58 = arith.andi %ne3A_52, %ne3A_57 : vector<16xi1>
    %sub3A_59 = arith.constant 1 : i32
    %sub3A_60 = vector.broadcast %sub3A_59 : i32 to vector<16xi32>
    %sub3A_61 = arith.subi %div3A_34, %sub3A_60 : vector<16xi32>
    %select_n3A_62 = arith.select %and3A_58, %sub3A_61, %div3A_34 : vector<16xi1>, vector<16xi32>
    %add3A_63 = arith.constant 32 : i32
    %add3A_64 = vector.broadcast %add3A_63 : i32 to vector<16xi32>
    %add3A_65 = arith.addi %iota3A, %add3A_64 : vector<16xi32>
    %jit3A_66 = arith.constant 8 : i32
    %div3A_67 = vector.broadcast %jit3A_66 : i32 to vector<16xi32>
    %div3A_68 = arith.divsi %add3A_65, %div3A_67 : vector<16xi32>
    %sign3A_69 = arith.constant 0 : i32
    %sign3A_70 = vector.broadcast %sign3A_69 : i32 to vector<16xi32>
    %sign3A_71 = arith.cmpi sgt, %add3A_65, %sign3A_70 : vector<16xi32>
    %sign3A_72 = arith.extui %sign3A_71 : vector<16xi1> to vector<16xi32>
    %sign3A_73 = arith.constant 0 : i32
    %sign3A_74 = vector.broadcast %sign3A_73 : i32 to vector<16xi32>
    %sign3A_75 = arith.cmpi slt, %add3A_65, %sign3A_74 : vector<16xi32>
    %sign3A_76 = arith.extui %sign3A_75 : vector<16xi1> to vector<16xi32>
    %sign3A_77 = arith.subi %sign3A_72, %sign3A_76 : vector<16xi32>
    %sign3A_78 = arith.constant 0 : i32
    %sign3A_79 = arith.cmpi sgt, %jit3A_66, %sign3A_78 : i32
    %sign3A_80 = arith.extui %sign3A_79 : i1 to i32
    %sign3A_81 = arith.constant 0 : i32
    %sign3A_82 = arith.cmpi slt, %jit3A_66, %sign3A_81 : i32
    %sign3A_83 = arith.extui %sign3A_82 : i1 to i32
    %sign3A_84 = arith.subi %sign3A_80, %sign3A_83 : i32
    %ne3A_85 = vector.broadcast %sign3A_84 : i32 to vector<16xi32>
    %ne3A_86 = arith.cmpi ne, %sign3A_77, %ne3A_85 : vector<16xi32>
    %rem3A_87 = vector.broadcast %jit3A_66 : i32 to vector<16xi32>
    %rem3A_88 = arith.remsi %add3A_65, %rem3A_87 : vector<16xi32>
    %ne3A_89 = arith.constant 0 : i32
    %ne3A_90 = vector.broadcast %ne3A_89 : i32 to vector<16xi32>
    %ne3A_91 = arith.cmpi ne, %rem3A_88, %ne3A_90 : vector<16xi32>
    %and3A_92 = arith.andi %ne3A_86, %ne3A_91 : vector<16xi1>
    %sub3A_93 = arith.constant 1 : i32
    %sub3A_94 = vector.broadcast %sub3A_93 : i32 to vector<16xi32>
    %sub3A_95 = arith.subi %div3A_68, %sub3A_94 : vector<16xi32>
    %select_n3A_96 = arith.select %and3A_92, %sub3A_95, %div3A_68 : vector<16xi1>, vector<16xi32>
    %add3A_97 = arith.constant 48 : i32
    %add3A_98 = vector.broadcast %add3A_97 : i32 to vector<16xi32>
    %add3A_99 = arith.addi %iota3A, %add3A_98 : vector<16xi32>
    %jit3A_100 = arith.constant 8 : i32
    %div3A_101 = vector.broadcast %jit3A_100 : i32 to vector<16xi32>
    %div3A_102 = arith.divsi %add3A_99, %div3A_101 : vector<16xi32>
    %sign3A_103 = arith.constant 0 : i32
    %sign3A_104 = vector.broadcast %sign3A_103 : i32 to vector<16xi32>
    %sign3A_105 = arith.cmpi sgt, %add3A_99, %sign3A_104 : vector<16xi32>
    %sign3A_106 = arith.extui %sign3A_105 : vector<16xi1> to vector<16xi32>
    %sign3A_107 = arith.constant 0 : i32
    %sign3A_108 = vector.broadcast %sign3A_107 : i32 to vector<16xi32>
    %sign3A_109 = arith.cmpi slt, %add3A_99, %sign3A_108 : vector<16xi32>
    %sign3A_110 = arith.extui %sign3A_109 : vector<16xi1> to vector<16xi32>
    %sign3A_111 = arith.subi %sign3A_106, %sign3A_110 : vector<16xi32>
    %sign3A_112 = arith.constant 0 : i32
    %sign3A_113 = arith.cmpi sgt, %jit3A_100, %sign3A_112 : i32
    %sign3A_114 = arith.extui %sign3A_113 : i1 to i32
    %sign3A_115 = arith.constant 0 : i32
    %sign3A_116 = arith.cmpi slt, %jit3A_100, %sign3A_115 : i32
    %sign3A_117 = arith.extui %sign3A_116 : i1 to i32
    %sign3A_118 = arith.subi %sign3A_114, %sign3A_117 : i32
    %ne3A_119 = vector.broadcast %sign3A_118 : i32 to vector<16xi32>
    %ne3A_120 = arith.cmpi ne, %sign3A_111, %ne3A_119 : vector<16xi32>
    %rem3A_121 = vector.broadcast %jit3A_100 : i32 to vector<16xi32>
    %rem3A_122 = arith.remsi %add3A_99, %rem3A_121 : vector<16xi32>
    %ne3A_123 = arith.constant 0 : i32
    %ne3A_124 = vector.broadcast %ne3A_123 : i32 to vector<16xi32>
    %ne3A_125 = arith.cmpi ne, %rem3A_122, %ne3A_124 : vector<16xi32>
    %and3A_126 = arith.andi %ne3A_120, %ne3A_125 : vector<16xi1>
    %sub3A_127 = arith.constant 1 : i32
    %sub3A_128 = vector.broadcast %sub3A_127 : i32 to vector<16xi32>
    %sub3A_129 = arith.subi %div3A_102, %sub3A_128 : vector<16xi32>
    %select_n3A_130 = arith.select %and3A_126, %sub3A_129, %div3A_102 : vector<16xi1>, vector<16xi32>
    %add3A_131 = arith.constant 0 : i32
    %add3A_132 = vector.broadcast %add3A_131 : i32 to vector<16xi32>
    %add3A_133 = arith.addi %iota3A, %add3A_132 : vector<16xi32>
    %jit3A_134 = arith.constant 8 : i32
    %eq3A = arith.constant 0 : i32
    %eq3A_135 = arith.cmpi eq, %jit3A_134, %eq3A : i32
    %jit3A_136 = arith.constant 1 : i32
    %select_n3A_137 = arith.select %eq3A_135, %jit3A_136, %jit3A_134 : i32
    %rem3A_138 = vector.broadcast %select_n3A_137 : i32 to vector<16xi32>
    %rem3A_139 = arith.remsi %add3A_133, %rem3A_138 : vector<16xi32>
    %ne3A_140 = arith.constant 0 : i32
    %ne3A_141 = vector.broadcast %ne3A_140 : i32 to vector<16xi32>
    %ne3A_142 = arith.cmpi ne, %rem3A_139, %ne3A_141 : vector<16xi32>
    %lt3A = arith.constant 0 : i32
    %lt3A_143 = vector.broadcast %lt3A : i32 to vector<16xi32>
    %lt3A_144 = arith.cmpi slt, %rem3A_139, %lt3A_143 : vector<16xi32>
    %lt3A_145 = arith.constant 0 : i32
    %lt3A_146 = arith.cmpi slt, %select_n3A_137, %lt3A_145 : i32
    %ne3A_147 = vector.broadcast %lt3A_146 : i1 to vector<16xi1>
    %ne3A_148 = vector.broadcast %ne3A_147 : vector<16xi1> to vector<16xi1>
    %ne3A_149 = arith.xori %lt3A_144, %ne3A_148 : vector<16xi1>
    %and3A_150 = arith.andi %ne3A_149, %ne3A_142 : vector<16xi1>
    %add3A_151 = vector.broadcast %select_n3A_137 : i32 to vector<16xi32>
    %add3A_152 = arith.addi %rem3A_139, %add3A_151 : vector<16xi32>
    %select_n3A_153 = arith.select %and3A_150, %add3A_152, %rem3A_139 : vector<16xi1>, vector<16xi32>
    %add3A_154 = arith.constant 16 : i32
    %add3A_155 = vector.broadcast %add3A_154 : i32 to vector<16xi32>
    %add3A_156 = arith.addi %iota3A, %add3A_155 : vector<16xi32>
    %jit3A_157 = arith.constant 8 : i32
    %eq3A_158 = arith.constant 0 : i32
    %eq3A_159 = arith.cmpi eq, %jit3A_157, %eq3A_158 : i32
    %jit3A_160 = arith.constant 1 : i32
    %select_n3A_161 = arith.select %eq3A_159, %jit3A_160, %jit3A_157 : i32
    %rem3A_162 = vector.broadcast %select_n3A_161 : i32 to vector<16xi32>
    %rem3A_163 = arith.remsi %add3A_156, %rem3A_162 : vector<16xi32>
    %ne3A_164 = arith.constant 0 : i32
    %ne3A_165 = vector.broadcast %ne3A_164 : i32 to vector<16xi32>
    %ne3A_166 = arith.cmpi ne, %rem3A_163, %ne3A_165 : vector<16xi32>
    %lt3A_167 = arith.constant 0 : i32
    %lt3A_168 = vector.broadcast %lt3A_167 : i32 to vector<16xi32>
    %lt3A_169 = arith.cmpi slt, %rem3A_163, %lt3A_168 : vector<16xi32>
    %lt3A_170 = arith.constant 0 : i32
    %lt3A_171 = arith.cmpi slt, %select_n3A_161, %lt3A_170 : i32
    %ne3A_172 = vector.broadcast %lt3A_171 : i1 to vector<16xi1>
    %ne3A_173 = vector.broadcast %ne3A_172 : vector<16xi1> to vector<16xi1>
    %ne3A_174 = arith.xori %lt3A_169, %ne3A_173 : vector<16xi1>
    %and3A_175 = arith.andi %ne3A_174, %ne3A_166 : vector<16xi1>
    %add3A_176 = vector.broadcast %select_n3A_161 : i32 to vector<16xi32>
    %add3A_177 = arith.addi %rem3A_163, %add3A_176 : vector<16xi32>
    %select_n3A_178 = arith.select %and3A_175, %add3A_177, %rem3A_163 : vector<16xi1>, vector<16xi32>
    %add3A_179 = arith.constant 32 : i32
    %add3A_180 = vector.broadcast %add3A_179 : i32 to vector<16xi32>
    %add3A_181 = arith.addi %iota3A, %add3A_180 : vector<16xi32>
    %jit3A_182 = arith.constant 8 : i32
    %eq3A_183 = arith.constant 0 : i32
    %eq3A_184 = arith.cmpi eq, %jit3A_182, %eq3A_183 : i32
    %jit3A_185 = arith.constant 1 : i32
    %select_n3A_186 = arith.select %eq3A_184, %jit3A_185, %jit3A_182 : i32
    %rem3A_187 = vector.broadcast %select_n3A_186 : i32 to vector<16xi32>
    %rem3A_188 = arith.remsi %add3A_181, %rem3A_187 : vector<16xi32>
    %ne3A_189 = arith.constant 0 : i32
    %ne3A_190 = vector.broadcast %ne3A_189 : i32 to vector<16xi32>
    %ne3A_191 = arith.cmpi ne, %rem3A_188, %ne3A_190 : vector<16xi32>
    %lt3A_192 = arith.constant 0 : i32
    %lt3A_193 = vector.broadcast %lt3A_192 : i32 to vector<16xi32>
    %lt3A_194 = arith.cmpi slt, %rem3A_188, %lt3A_193 : vector<16xi32>
    %lt3A_195 = arith.constant 0 : i32
    %lt3A_196 = arith.cmpi slt, %select_n3A_186, %lt3A_195 : i32
    %ne3A_197 = vector.broadcast %lt3A_196 : i1 to vector<16xi1>
    %ne3A_198 = vector.broadcast %ne3A_197 : vector<16xi1> to vector<16xi1>
    %ne3A_199 = arith.xori %lt3A_194, %ne3A_198 : vector<16xi1>
    %and3A_200 = arith.andi %ne3A_199, %ne3A_191 : vector<16xi1>
    %add3A_201 = vector.broadcast %select_n3A_186 : i32 to vector<16xi32>
    %add3A_202 = arith.addi %rem3A_188, %add3A_201 : vector<16xi32>
    %select_n3A_203 = arith.select %and3A_200, %add3A_202, %rem3A_188 : vector<16xi1>, vector<16xi32>
    %add3A_204 = arith.constant 48 : i32
    %add3A_205 = vector.broadcast %add3A_204 : i32 to vector<16xi32>
    %add3A_206 = arith.addi %iota3A, %add3A_205 : vector<16xi32>
    %jit3A_207 = arith.constant 8 : i32
    %eq3A_208 = arith.constant 0 : i32
    %eq3A_209 = arith.cmpi eq, %jit3A_207, %eq3A_208 : i32
    %jit3A_210 = arith.constant 1 : i32
    %select_n3A_211 = arith.select %eq3A_209, %jit3A_210, %jit3A_207 : i32
    %rem3A_212 = vector.broadcast %select_n3A_211 : i32 to vector<16xi32>
    %rem3A_213 = arith.remsi %add3A_206, %rem3A_212 : vector<16xi32>
    %ne3A_214 = arith.constant 0 : i32
    %ne3A_215 = vector.broadcast %ne3A_214 : i32 to vector<16xi32>
    %ne3A_216 = arith.cmpi ne, %rem3A_213, %ne3A_215 : vector<16xi32>
    %lt3A_217 = arith.constant 0 : i32
    %lt3A_218 = vector.broadcast %lt3A_217 : i32 to vector<16xi32>
    %lt3A_219 = arith.cmpi slt, %rem3A_213, %lt3A_218 : vector<16xi32>
    %lt3A_220 = arith.constant 0 : i32
    %lt3A_221 = arith.cmpi slt, %select_n3A_211, %lt3A_220 : i32
    %ne3A_222 = vector.broadcast %lt3A_221 : i1 to vector<16xi1>
    %ne3A_223 = vector.broadcast %ne3A_222 : vector<16xi1> to vector<16xi1>
    %ne3A_224 = arith.xori %lt3A_219, %ne3A_223 : vector<16xi1>
    %and3A_225 = arith.andi %ne3A_224, %ne3A_216 : vector<16xi1>
    %add3A_226 = vector.broadcast %select_n3A_211 : i32 to vector<16xi32>
    %add3A_227 = arith.addi %rem3A_213, %add3A_226 : vector<16xi32>
    %select_n3A_228 = arith.select %and3A_225, %add3A_227, %rem3A_213 : vector<16xi1>, vector<16xi32>
    "tpu.region"() ({
      %run_scoped3A = tpu.sem_alloc : memref<!tpu.dma_semaphore, #tpu.memory_space<semaphore_mem>>
      tpu.enqueue_dma source(%arg4 : memref<512x64xf32, #tpu.memory_space<hbm>>) target(%arg15 : memref<512x64xf32, #tpu.memory_space<vmem>>) target_semaphore(%run_scoped3A : memref<!tpu.dma_semaphore, #tpu.memory_space<semaphore_mem>>)
      tpu.wait_dma2 semaphore(%run_scoped3A : memref<!tpu.dma_semaphore, #tpu.memory_space<semaphore_mem>>) src(%arg4 : memref<512x64xf32, #tpu.memory_space<hbm>>) dst(%arg15 : memref<512x64xf32, #tpu.memory_space<vmem>>)
      tpu.yield
    }) : () -> ()
    %jit3A_229 = arith.constant 8 : i32
    %div3A_230 = arith.divsi %mul3A_2, %jit3A_229 : i32
    %sign3A_231 = arith.constant 0 : i32
    %sign3A_232 = arith.cmpi sgt, %mul3A_2, %sign3A_231 : i32
    %sign3A_233 = arith.extui %sign3A_232 : i1 to i32
    %sign3A_234 = arith.constant 0 : i32
    %sign3A_235 = arith.cmpi slt, %mul3A_2, %sign3A_234 : i32
    %sign3A_236 = arith.extui %sign3A_235 : i1 to i32
    %sign3A_237 = arith.subi %sign3A_233, %sign3A_236 : i32
    %sign3A_238 = arith.constant 0 : i32
    %sign3A_239 = arith.cmpi sgt, %jit3A_229, %sign3A_238 : i32
    %sign3A_240 = arith.extui %sign3A_239 : i1 to i32
    %sign3A_241 = arith.constant 0 : i32
    %sign3A_242 = arith.cmpi slt, %jit3A_229, %sign3A_241 : i32
    %sign3A_243 = arith.extui %sign3A_242 : i1 to i32
    %sign3A_244 = arith.subi %sign3A_240, %sign3A_243 : i32
    %ne3A_245 = arith.cmpi ne, %sign3A_237, %sign3A_244 : i32
    %rem3A_246 = arith.remsi %mul3A_2, %jit3A_229 : i32
    %ne3A_247 = arith.constant 0 : i32
    %ne3A_248 = arith.cmpi ne, %rem3A_246, %ne3A_247 : i32
    %and3A_249 = arith.andi %ne3A_245, %ne3A_248 : i1
    %sub3A_250 = arith.constant 1 : i32
    %sub3A_251 = arith.subi %div3A_230, %sub3A_250 : i32
    %select_n3A_252 = arith.select %and3A_249, %sub3A_251, %div3A_230 : i32
    "tpu.region"() ({
      %run_scoped3A = tpu.sem_alloc : memref<!tpu.dma_semaphore, #tpu.memory_space<semaphore_mem>>
      %dma_start3A_358 = arith.constant 0 : i32
      %dma_start3A_359 = arith.constant 0 : i32
      %dma_start3A_360 = arith.constant 0 : i32
      %dma_start3A_361 = tpu.memref_slice %arg2[%select_n3A_252, %dma_start3A_358, %dma_start3A_359, %dma_start3A_360] : memref<128x4x8x128xi32, #tpu.memory_space<hbm>> -> memref<4x4x8x128xi32, #tpu.memory_space<hbm>>
      %dma_start3A_362 = arith.constant 0 : i32
      %dma_start3A_363 = arith.constant 0 : i32
      %dma_start3A_364 = arith.constant 0 : i32
      %dma_start3A_365 = tpu.memref_slice %arg2[%select_n3A_252, %dma_start3A_362, %dma_start3A_363, %dma_start3A_364] : memref<128x4x8x128xi32, #tpu.memory_space<hbm>> -> memref<4x4x8x128xi32, #tpu.memory_space<hbm>>
      tpu.enqueue_dma source(%dma_start3A_365 : memref<4x4x8x128xi32, #tpu.memory_space<hbm>>) target(%arg6 : memref<4x4x8x128xi32, #tpu.memory_space<vmem>>) target_semaphore(%run_scoped3A : memref<!tpu.dma_semaphore, #tpu.memory_space<semaphore_mem>>)
      %dma_wait3A_366 = arith.constant 0 : i32
      %dma_wait3A_367 = arith.constant 0 : i32
      %dma_wait3A_368 = arith.constant 0 : i32
      %dma_wait3A_369 = tpu.memref_slice %arg2[%select_n3A_252, %dma_wait3A_366, %dma_wait3A_367, %dma_wait3A_368] : memref<128x4x8x128xi32, #tpu.memory_space<hbm>> -> memref<4x4x8x128xi32, #tpu.memory_space<hbm>>
      %dma_wait3A_370 = arith.constant 0 : i32
      %dma_wait3A_371 = arith.constant 0 : i32
      %dma_wait3A_372 = arith.constant 0 : i32
      %dma_wait3A_373 = tpu.memref_slice %arg2[%select_n3A_252, %dma_wait3A_370, %dma_wait3A_371, %dma_wait3A_372] : memref<128x4x8x128xi32, #tpu.memory_space<hbm>> -> memref<4x4x8x128xi32, #tpu.memory_space<hbm>>
      tpu.wait_dma2 semaphore(%run_scoped3A : memref<!tpu.dma_semaphore, #tpu.memory_space<semaphore_mem>>) src(%dma_wait3A_373 : memref<4x4x8x128xi32, #tpu.memory_space<hbm>>) dst(%arg6 : memref<4x4x8x128xi32, #tpu.memory_space<vmem>>)
      tpu.yield
    }) : () -> ()
    %dma_start3A = arith.constant 0 : i32
    %dma_start3A_253 = arith.constant 0 : i32
    %dma_start3A_254 = arith.constant 0 : i32
    %dma_start3A_255 = arith.constant 0 : i32
    %dma_start3A_256 = tpu.memref_slice %arg6[%dma_start3A, %dma_start3A_253, %dma_start3A_254, %dma_start3A_255] : memref<4x4x8x128xi32, #tpu.memory_space<vmem>> -> memref<1x1x1x128xi32, #tpu.memory_space<vmem>>
    %dma_start3A_257 = tpu.memref_squeeze %dma_start3A_256 : memref<1x1x1x128xi32, #tpu.memory_space<vmem>> -> memref<128xi32, #tpu.memory_space<vmem>>
    %dma_start3A_258 = arith.constant 0 : i32
    %dma_start3A_259 = arith.constant 0 : i32
    %dma_start3A_260 = tpu.memref_slice %arg3[%dma_start3A_258, %dma_start3A_259] : memref<100000x64xf32, #tpu.memory_space<hbm>> -> memref<100000x64xf32, #tpu.memory_space<hbm>>
    tpu.enqueue_indirect_dma source(%dma_start3A_260 : memref<100000x64xf32, #tpu.memory_space<hbm>>) target(%arg7 : memref<128x64xf32, #tpu.memory_space<vmem>>) offsets(%dma_start3A_257 : memref<128xi32, #tpu.memory_space<vmem>>) semaphore(%arg16 : memref<!tpu.dma_semaphore, #tpu.memory_space<semaphore_mem>>)
    %dma_start3A_261 = arith.constant 0 : i32
    %dma_start3A_262 = arith.constant 1 : i32
    %dma_start3A_263 = arith.constant 0 : i32
    %dma_start3A_264 = arith.constant 0 : i32
    %dma_start3A_265 = tpu.memref_slice %arg6[%dma_start3A_261, %dma_start3A_262, %dma_start3A_263, %dma_start3A_264] : memref<4x4x8x128xi32, #tpu.memory_space<vmem>> -> memref<1x1x1x128xi32, #tpu.memory_space<vmem>>
    %dma_start3A_266 = tpu.memref_squeeze %dma_start3A_265 : memref<1x1x1x128xi32, #tpu.memory_space<vmem>> -> memref<128xi32, #tpu.memory_space<vmem>>
    %dma_start3A_267 = arith.constant 0 : i32
    %dma_start3A_268 = arith.constant 0 : i32
    %dma_start3A_269 = tpu.memref_slice %arg3[%dma_start3A_267, %dma_start3A_268] : memref<100000x64xf32, #tpu.memory_space<hbm>> -> memref<100000x64xf32, #tpu.memory_space<hbm>>
    tpu.enqueue_indirect_dma source(%dma_start3A_269 : memref<100000x64xf32, #tpu.memory_space<hbm>>) target(%arg8 : memref<128x64xf32, #tpu.memory_space<vmem>>) offsets(%dma_start3A_266 : memref<128xi32, #tpu.memory_space<vmem>>) semaphore(%arg17 : memref<!tpu.dma_semaphore, #tpu.memory_space<semaphore_mem>>)
    %scan3A = arith.constant 0 : i32
    %scan3A_270 = arith.constant 0 : i32
    %scan3A_271 = arith.constant 32 : i32
    %scan3A_272 = arith.addi %scan3A_270, %scan3A_271 : i32
    %scan3A_273 = arith.constant 1 : i32
    scf.for %scan3A_358 = %scan3A_270 to %scan3A_272 step %scan3A_273  : i32 {
      %mul3A_359 = arith.constant 4 : i32
      %mul3A_360 = arith.muli %scan3A_358, %mul3A_359 : i32
      %add3A_361 = arith.constant 0 : i32
      %add3A_362 = arith.addi %mul3A_360, %add3A_361 : i32
      %add3A_363 = arith.constant 2 : i32
      %add3A_364 = arith.addi %add3A_362, %add3A_363 : i32
      %lt3A_365 = arith.constant 128 : i32
      %lt3A_366 = arith.cmpi slt, %add3A_364, %lt3A_365 : i32
      %convert_element_type3A = arith.extui %lt3A_366 : i1 to i32
      %cond3A = arith.constant 0 : i32
      %cond3A_367 = arith.cmpi ne, %convert_element_type3A, %cond3A : i32
      scf.if %cond3A_367 {
        %ge3A = arith.constant 2 : i32
        %ge3A_680 = arith.cmpi sge, %add3A_362, %ge3A : i32
        %convert_element_type3A_681 = arith.extui %ge3A_680 : i1 to i32
        %cond3A_682 = arith.constant 0 : i32
        %cond3A_683 = arith.cmpi ne, %convert_element_type3A_681, %cond3A_682 : i32
        scf.if %cond3A_683 {
          %add3A_733 = arith.constant -1 : i32
          %add3A_734 = arith.addi %scan3A_358, %add3A_733 : i32
          %add3A_735 = arith.addi %mul3A_2, %add3A_734 : i32
          %dma_wait3A_736 = arith.constant 2 : i32
          %dma_wait3A_737 = arith.constant 0 : i32
          %dma_wait3A_738 = arith.constant 0 : i32
          %dma_wait3A_739 = arith.constant 0 : i32
          %dma_wait3A_740 = tpu.memref_slice %arg13[%dma_wait3A_737, %dma_wait3A_738, %dma_wait3A_739] : memref<8x8x129xf32, #tpu.memory_space<vmem>> -> memref<8x8x128xf32, #tpu.memory_space<vmem>>
          %dma_wait3A_741 = arith.constant 0 : i32
          %dma_wait3A_742 = arith.constant 0 : i32
          %dma_wait3A_743 = arith.constant 0 : i32
          %dma_wait3A_744 = tpu.memref_slice %arg5[%add3A_735, %dma_wait3A_741, %dma_wait3A_736, %dma_wait3A_742, %dma_wait3A_743] : memref<1024x8x4x8x128xf32, #tpu.memory_space<hbm>> -> memref<1x8x1x8x128xf32, #tpu.memory_space<hbm>>
          %dma_wait3A_745 = tpu.memref_squeeze %dma_wait3A_744 : memref<1x8x1x8x128xf32, #tpu.memory_space<hbm>> -> memref<8x8x128xf32, #tpu.memory_space<hbm>>
          %dma_wait3A_746 = arith.constant 0 : i32
          %dma_wait3A_747 = arith.constant 0 : i32
          %dma_wait3A_748 = arith.constant 0 : i32
          %dma_wait3A_749 = tpu.memref_slice %arg5[%add3A_735, %dma_wait3A_746, %dma_wait3A_736, %dma_wait3A_747, %dma_wait3A_748] : memref<1024x8x4x8x128xf32, #tpu.memory_space<hbm>> -> memref<1x8x1x8x128xf32, #tpu.memory_space<hbm>>
          %dma_wait3A_750 = tpu.memref_squeeze %dma_wait3A_749 : memref<1x8x1x8x128xf32, #tpu.memory_space<hbm>> -> memref<8x8x128xf32, #tpu.memory_space<hbm>>
          %dma_wait3A_751 = arith.constant 0 : i32
          %dma_wait3A_752 = arith.constant 0 : i32
          %dma_wait3A_753 = arith.constant 0 : i32
          %dma_wait3A_754 = tpu.memref_slice %arg13[%dma_wait3A_751, %dma_wait3A_752, %dma_wait3A_753] : memref<8x8x129xf32, #tpu.memory_space<vmem>> -> memref<8x8x128xf32, #tpu.memory_space<vmem>>
          tpu.wait_dma2 semaphore(%arg22 : memref<!tpu.dma_semaphore, #tpu.memory_space<semaphore_mem>>) src(%dma_wait3A_754 : memref<8x8x128xf32, #tpu.memory_space<vmem>>) dst(%dma_wait3A_750 : memref<8x8x128xf32, #tpu.memory_space<hbm>>)
        } else {
        }
        %add3A_684 = arith.constant 0 : i32
        %add3A_685 = arith.addi %scan3A_358, %add3A_684 : i32
        %jit3A_686 = arith.constant 8 : i32
        %div3A_687 = arith.divsi %add3A_685, %jit3A_686 : i32
        %sign3A_688 = arith.constant 0 : i32
        %sign3A_689 = arith.cmpi sgt, %add3A_685, %sign3A_688 : i32
        %sign3A_690 = arith.extui %sign3A_689 : i1 to i32
        %sign3A_691 = arith.constant 0 : i32
        %sign3A_692 = arith.cmpi slt, %add3A_685, %sign3A_691 : i32
        %sign3A_693 = arith.extui %sign3A_692 : i1 to i32
        %sign3A_694 = arith.subi %sign3A_690, %sign3A_693 : i32
        %sign3A_695 = arith.constant 0 : i32
        %sign3A_696 = arith.cmpi sgt, %jit3A_686, %sign3A_695 : i32
        %sign3A_697 = arith.extui %sign3A_696 : i1 to i32
        %sign3A_698 = arith.constant 0 : i32
        %sign3A_699 = arith.cmpi slt, %jit3A_686, %sign3A_698 : i32
        %sign3A_700 = arith.extui %sign3A_699 : i1 to i32
        %sign3A_701 = arith.subi %sign3A_697, %sign3A_700 : i32
        %ne3A_702 = arith.cmpi ne, %sign3A_694, %sign3A_701 : i32
        %rem3A_703 = arith.remsi %add3A_685, %jit3A_686 : i32
        %ne3A_704 = arith.constant 0 : i32
        %ne3A_705 = arith.cmpi ne, %rem3A_703, %ne3A_704 : i32
        %and3A_706 = arith.andi %ne3A_702, %ne3A_705 : i1
        %sub3A_707 = arith.constant 1 : i32
        %sub3A_708 = arith.subi %div3A_687, %sub3A_707 : i32
        %select_n3A_709 = arith.select %and3A_706, %sub3A_708, %div3A_687 : i32
        %jit3A_710 = arith.constant 8 : i32
        %eq3A_711 = arith.constant 0 : i32
        %eq3A_712 = arith.cmpi eq, %jit3A_710, %eq3A_711 : i32
        %jit3A_713 = arith.constant 1 : i32
        %select_n3A_714 = arith.select %eq3A_712, %jit3A_713, %jit3A_710 : i32
        %rem3A_715 = arith.remsi %add3A_685, %select_n3A_714 : i32
        %ne3A_716 = arith.constant 0 : i32
        %ne3A_717 = arith.cmpi ne, %rem3A_715, %ne3A_716 : i32
        %lt3A_718 = arith.constant 0 : i32
        %lt3A_719 = arith.cmpi slt, %rem3A_715, %lt3A_718 : i32
        %lt3A_720 = arith.constant 0 : i32
        %lt3A_721 = arith.cmpi slt, %select_n3A_714, %lt3A_720 : i32
        %ne3A_722 = arith.xori %lt3A_719, %lt3A_721 : i1
        %and3A_723 = arith.andi %ne3A_722, %ne3A_717 : i1
        %add3A_724 = arith.addi %rem3A_715, %select_n3A_714 : i32
        %select_n3A_725 = arith.select %and3A_723, %add3A_724, %rem3A_715 : i32
        %dma_start3A_726 = arith.constant 2 : i32
        %dma_start3A_727 = arith.constant 0 : i32
        %dma_start3A_728 = tpu.memref_slice %arg6[%select_n3A_709, %dma_start3A_726, %select_n3A_725, %dma_start3A_727] : memref<4x4x8x128xi32, #tpu.memory_space<vmem>> -> memref<1x1x1x128xi32, #tpu.memory_space<vmem>>
        %dma_start3A_729 = tpu.memref_squeeze %dma_start3A_728 : memref<1x1x1x128xi32, #tpu.memory_space<vmem>> -> memref<128xi32, #tpu.memory_space<vmem>>
        %dma_start3A_730 = arith.constant 0 : i32
        %dma_start3A_731 = arith.constant 0 : i32
        %dma_start3A_732 = tpu.memref_slice %arg3[%dma_start3A_730, %dma_start3A_731] : memref<100000x64xf32, #tpu.memory_space<hbm>> -> memref<100000x64xf32, #tpu.memory_space<hbm>>
        tpu.enqueue_indirect_dma source(%dma_start3A_732 : memref<100000x64xf32, #tpu.memory_space<hbm>>) target(%arg9 : memref<128x64xf32, #tpu.memory_space<vmem>>) offsets(%dma_start3A_729 : memref<128xi32, #tpu.memory_space<vmem>>) semaphore(%arg18 : memref<!tpu.dma_semaphore, #tpu.memory_space<semaphore_mem>>)
      } else {
      }
      %jit3A_368 = arith.constant 8 : i32
      %div3A_369 = arith.divsi %scan3A_358, %jit3A_368 : i32
      %sign3A_370 = arith.constant 0 : i32
      %sign3A_371 = arith.cmpi sgt, %scan3A_358, %sign3A_370 : i32
      %sign3A_372 = arith.extui %sign3A_371 : i1 to i32
      %sign3A_373 = arith.constant 0 : i32
      %sign3A_374 = arith.cmpi slt, %scan3A_358, %sign3A_373 : i32
      %sign3A_375 = arith.extui %sign3A_374 : i1 to i32
      %sign3A_376 = arith.subi %sign3A_372, %sign3A_375 : i32
      %sign3A_377 = arith.constant 0 : i32
      %sign3A_378 = arith.cmpi sgt, %jit3A_368, %sign3A_377 : i32
      %sign3A_379 = arith.extui %sign3A_378 : i1 to i32
      %sign3A_380 = arith.constant 0 : i32
      %sign3A_381 = arith.cmpi slt, %jit3A_368, %sign3A_380 : i32
      %sign3A_382 = arith.extui %sign3A_381 : i1 to i32
      %sign3A_383 = arith.subi %sign3A_379, %sign3A_382 : i32
      %ne3A_384 = arith.cmpi ne, %sign3A_376, %sign3A_383 : i32
      %rem3A_385 = arith.remsi %scan3A_358, %jit3A_368 : i32
      %ne3A_386 = arith.constant 0 : i32
      %ne3A_387 = arith.cmpi ne, %rem3A_385, %ne3A_386 : i32
      %and3A_388 = arith.andi %ne3A_384, %ne3A_387 : i1
      %sub3A_389 = arith.constant 1 : i32
      %sub3A_390 = arith.subi %div3A_369, %sub3A_389 : i32
      %select_n3A_391 = arith.select %and3A_388, %sub3A_390, %div3A_369 : i32
      %jit3A_392 = arith.constant 8 : i32
      %eq3A_393 = arith.constant 0 : i32
      %eq3A_394 = arith.cmpi eq, %jit3A_392, %eq3A_393 : i32
      %jit3A_395 = arith.constant 1 : i32
      %select_n3A_396 = arith.select %eq3A_394, %jit3A_395, %jit3A_392 : i32
      %rem3A_397 = arith.remsi %scan3A_358, %select_n3A_396 : i32
      %ne3A_398 = arith.constant 0 : i32
      %ne3A_399 = arith.cmpi ne, %rem3A_397, %ne3A_398 : i32
      %lt3A_400 = arith.constant 0 : i32
      %lt3A_401 = arith.cmpi slt, %rem3A_397, %lt3A_400 : i32
      %lt3A_402 = arith.constant 0 : i32
      %lt3A_403 = arith.cmpi slt, %select_n3A_396, %lt3A_402 : i32
      %ne3A_404 = arith.xori %lt3A_401, %lt3A_403 : i1
      %and3A_405 = arith.andi %ne3A_404, %ne3A_399 : i1
      %add3A_406 = arith.addi %rem3A_397, %select_n3A_396 : i32
      %select_n3A_407 = arith.select %and3A_405, %add3A_406, %rem3A_397 : i32
      %dma_wait3A_408 = arith.constant 0 : i32
      %dma_wait3A_409 = arith.constant 0 : i32
      %dma_wait3A_410 = tpu.memref_slice %arg6[%select_n3A_391, %dma_wait3A_408, %select_n3A_407, %dma_wait3A_409] : memref<4x4x8x128xi32, #tpu.memory_space<vmem>> -> memref<1x1x1x128xi32, #tpu.memory_space<vmem>>
      %dma_wait3A_411 = tpu.memref_squeeze %dma_wait3A_410 : memref<1x1x1x128xi32, #tpu.memory_space<vmem>> -> memref<128xi32, #tpu.memory_space<vmem>>
      %dma_wait3A_412 = arith.constant 0 : i32
      %dma_wait3A_413 = arith.constant 0 : i32
      %dma_wait3A_414 = tpu.memref_slice %arg3[%dma_wait3A_412, %dma_wait3A_413] : memref<100000x64xf32, #tpu.memory_space<hbm>> -> memref<100000x64xf32, #tpu.memory_space<hbm>>
      tpu.wait_indirect_dma semaphore(%arg16 : memref<!tpu.dma_semaphore, #tpu.memory_space<semaphore_mem>>) src(%dma_wait3A_414 : memref<100000x64xf32, #tpu.memory_space<hbm>>) dst(%arg7 : memref<128x64xf32, #tpu.memory_space<vmem>>)
      %add3A_415 = arith.addi %mul3A_2, %scan3A_358 : i32
      %parallel_loop3A = arith.constant 0 : i32
      %parallel_loop3A_416 = arith.constant 128 : i32
      %parallel_loop3A_417 = arith.constant 1 : i32
      scf.for %parallel_loop3A_680 = %parallel_loop3A to %parallel_loop3A_416 step %parallel_loop3A_417  : i32 {
        %parallel_loop3A_681 = vector.broadcast %parallel_loop3A_680 : i32 to vector<16xi32>
        %parallel_loop3A_682 = arith.index_cast %parallel_loop3A_680 : i32 to index
        %parallel_loop3A_683 = arith.constant 0 : index
        %parallel_loop3A_684 = tpu.vector_load %arg7[%parallel_loop3A_682, %parallel_loop3A_683] {strides = array<i32>} : memref<128x64xf32, #tpu.memory_space<vmem>>, vector<16xf32>,
        %parallel_loop3A_685 = arith.constant 0 : i32
        %parallel_loop3A_686 = arith.addi %parallel_loop3A_685, %parallel_loop3A_680 : i32
        %parallel_loop3A_687 = arith.index_cast %parallel_loop3A_686 : i32 to index
        %parallel_loop3A_688 = arith.constant 0 : index
        %parallel_loop3A_689 = tpu.vector_load %arg15[%parallel_loop3A_687, %parallel_loop3A_688] {strides = array<i32>} : memref<512x64xf32, #tpu.memory_space<vmem>>, vector<16xf32>,
        %parallel_loop3A_690 = arith.addf %parallel_loop3A_684, %parallel_loop3A_689 : vector<16xf32>
        tpu.vector_store_idx %arg11[%select_n3A, %select_n3A_153, %parallel_loop3A_681], %parallel_loop3A_690 : memref<8x8x129xf32, #tpu.memory_space<vmem>>[vector<16xi32>, vector<16xi32>, vector<16xi32>], vector<16xf32>,
        %parallel_loop3A_691 = arith.index_cast %parallel_loop3A_680 : i32 to index
        %parallel_loop3A_692 = arith.constant 16 : index
        %parallel_loop3A_693 = tpu.vector_load %arg7[%parallel_loop3A_691, %parallel_loop3A_692] {strides = array<i32>} : memref<128x64xf32, #tpu.memory_space<vmem>>, vector<16xf32>,
        %parallel_loop3A_694 = arith.constant 0 : i32
        %parallel_loop3A_695 = arith.addi %parallel_loop3A_694, %parallel_loop3A_680 : i32
        %parallel_loop3A_696 = arith.index_cast %parallel_loop3A_695 : i32 to index
        %parallel_loop3A_697 = arith.constant 16 : index
        %parallel_loop3A_698 = tpu.vector_load %arg15[%parallel_loop3A_696, %parallel_loop3A_697] {strides = array<i32>} : memref<512x64xf32, #tpu.memory_space<vmem>>, vector<16xf32>,
        %parallel_loop3A_699 = arith.addf %parallel_loop3A_693, %parallel_loop3A_698 : vector<16xf32>
        tpu.vector_store_idx %arg11[%select_n3A_62, %select_n3A_178, %parallel_loop3A_681], %parallel_loop3A_699 : memref<8x8x129xf32, #tpu.memory_space<vmem>>[vector<16xi32>, vector<16xi32>, vector<16xi32>], vector<16xf32>,
        %parallel_loop3A_700 = arith.index_cast %parallel_loop3A_680 : i32 to index
        %parallel_loop3A_701 = arith.constant 32 : index
        %parallel_loop3A_702 = tpu.vector_load %arg7[%parallel_loop3A_700, %parallel_loop3A_701] {strides = array<i32>} : memref<128x64xf32, #tpu.memory_space<vmem>>, vector<16xf32>,
        %parallel_loop3A_703 = arith.constant 0 : i32
        %parallel_loop3A_704 = arith.addi %parallel_loop3A_703, %parallel_loop3A_680 : i32
        %parallel_loop3A_705 = arith.index_cast %parallel_loop3A_704 : i32 to index
        %parallel_loop3A_706 = arith.constant 32 : index
        %parallel_loop3A_707 = tpu.vector_load %arg15[%parallel_loop3A_705, %parallel_loop3A_706] {strides = array<i32>} : memref<512x64xf32, #tpu.memory_space<vmem>>, vector<16xf32>,
        %parallel_loop3A_708 = arith.addf %parallel_loop3A_702, %parallel_loop3A_707 : vector<16xf32>
        tpu.vector_store_idx %arg11[%select_n3A_96, %select_n3A_203, %parallel_loop3A_681], %parallel_loop3A_708 : memref<8x8x129xf32, #tpu.memory_space<vmem>>[vector<16xi32>, vector<16xi32>, vector<16xi32>], vector<16xf32>,
        %parallel_loop3A_709 = arith.index_cast %parallel_loop3A_680 : i32 to index
        %parallel_loop3A_710 = arith.constant 48 : index
        %parallel_loop3A_711 = tpu.vector_load %arg7[%parallel_loop3A_709, %parallel_loop3A_710] {strides = array<i32>} : memref<128x64xf32, #tpu.memory_space<vmem>>, vector<16xf32>,
        %parallel_loop3A_712 = arith.constant 0 : i32
        %parallel_loop3A_713 = arith.addi %parallel_loop3A_712, %parallel_loop3A_680 : i32
        %parallel_loop3A_714 = arith.index_cast %parallel_loop3A_713 : i32 to index
        %parallel_loop3A_715 = arith.constant 48 : index
        %parallel_loop3A_716 = tpu.vector_load %arg15[%parallel_loop3A_714, %parallel_loop3A_715] {strides = array<i32>} : memref<512x64xf32, #tpu.memory_space<vmem>>, vector<16xf32>,
        %parallel_loop3A_717 = arith.addf %parallel_loop3A_711, %parallel_loop3A_716 : vector<16xf32>
        tpu.vector_store_idx %arg11[%select_n3A_130, %select_n3A_228, %parallel_loop3A_681], %parallel_loop3A_717 : memref<8x8x129xf32, #tpu.memory_space<vmem>>[vector<16xi32>, vector<16xi32>, vector<16xi32>], vector<16xf32>,
      } {sc.loop_unroll_factor = 4 : i64, sc.parallel_access}
      %dma_start3A_418 = arith.constant 0 : i32
      %dma_start3A_419 = arith.constant 0 : i32
      %dma_start3A_420 = arith.constant 0 : i32
      %dma_start3A_421 = arith.constant 0 : i32
      %dma_start3A_422 = tpu.memref_slice %arg11[%dma_start3A_419, %dma_start3A_420, %dma_start3A_421] : memref<8x8x129xf32, #tpu.memory_space<vmem>> -> memref<8x8x128xf32, #tpu.memory_space<vmem>>
      %dma_start3A_423 = arith.constant 0 : i32
      %dma_start3A_424 = arith.constant 0 : i32
      %dma_start3A_425 = arith.constant 0 : i32
      %dma_start3A_426 = tpu.memref_slice %arg5[%add3A_415, %dma_start3A_423, %dma_start3A_418, %dma_start3A_424, %dma_start3A_425] : memref<1024x8x4x8x128xf32, #tpu.memory_space<hbm>> -> memref<1x8x1x8x128xf32, #tpu.memory_space<hbm>>
      %dma_start3A_427 = tpu.memref_squeeze %dma_start3A_426 : memref<1x8x1x8x128xf32, #tpu.memory_space<hbm>> -> memref<8x8x128xf32, #tpu.memory_space<hbm>>
      %dma_start3A_428 = arith.constant 0 : i32
      %dma_start3A_429 = arith.constant 0 : i32
      %dma_start3A_430 = arith.constant 0 : i32
      %dma_start3A_431 = tpu.memref_slice %arg5[%add3A_415, %dma_start3A_428, %dma_start3A_418, %dma_start3A_429, %dma_start3A_430] : memref<1024x8x4x8x128xf32, #tpu.memory_space<hbm>> -> memref<1x8x1x8x128xf32, #tpu.memory_space<hbm>>
      %dma_start3A_432 = tpu.memref_squeeze %dma_start3A_431 : memref<1x8x1x8x128xf32, #tpu.memory_space<hbm>> -> memref<8x8x128xf32, #tpu.memory_space<hbm>>
      %dma_start3A_433 = arith.constant 0 : i32
      %dma_start3A_434 = arith.constant 0 : i32
      %dma_start3A_435 = arith.constant 0 : i32
      %dma_start3A_436 = tpu.memref_slice %arg11[%dma_start3A_433, %dma_start3A_434, %dma_start3A_435] : memref<8x8x129xf32, #tpu.memory_space<vmem>> -> memref<8x8x128xf32, #tpu.memory_space<vmem>>
      tpu.enqueue_dma source(%dma_start3A_436 : memref<8x8x128xf32, #tpu.memory_space<vmem>>) target(%dma_start3A_432 : memref<8x8x128xf32, #tpu.memory_space<hbm>>) target_semaphore(%arg20 : memref<!tpu.dma_semaphore, #tpu.memory_space<semaphore_mem>>)
      %mul3A_437 = arith.constant 4 : i32
      %mul3A_438 = arith.muli %scan3A_358, %mul3A_437 : i32
      %add3A_439 = arith.constant 1 : i32
      %add3A_440 = arith.addi %mul3A_438, %add3A_439 : i32
      %add3A_441 = arith.constant 2 : i32
      %add3A_442 = arith.addi %add3A_440, %add3A_441 : i32
      %lt3A_443 = arith.constant 128 : i32
      %lt3A_444 = arith.cmpi slt, %add3A_442, %lt3A_443 : i32
      %convert_element_type3A_445 = arith.extui %lt3A_444 : i1 to i32
      %cond3A_446 = arith.constant 0 : i32
      %cond3A_447 = arith.cmpi ne, %convert_element_type3A_445, %cond3A_446 : i32
      scf.if %cond3A_447 {
        %ge3A = arith.constant 2 : i32
        %ge3A_680 = arith.cmpi sge, %add3A_440, %ge3A : i32
        %convert_element_type3A_681 = arith.extui %ge3A_680 : i1 to i32
        %cond3A_682 = arith.constant 0 : i32
        %cond3A_683 = arith.cmpi ne, %convert_element_type3A_681, %cond3A_682 : i32
        scf.if %cond3A_683 {
          %add3A_733 = arith.constant -1 : i32
          %add3A_734 = arith.addi %scan3A_358, %add3A_733 : i32
          %add3A_735 = arith.addi %mul3A_2, %add3A_734 : i32
          %dma_wait3A_736 = arith.constant 3 : i32
          %dma_wait3A_737 = arith.constant 0 : i32
          %dma_wait3A_738 = arith.constant 0 : i32
          %dma_wait3A_739 = arith.constant 0 : i32
          %dma_wait3A_740 = tpu.memref_slice %arg14[%dma_wait3A_737, %dma_wait3A_738, %dma_wait3A_739] : memref<8x8x129xf32, #tpu.memory_space<vmem>> -> memref<8x8x128xf32, #tpu.memory_space<vmem>>
          %dma_wait3A_741 = arith.constant 0 : i32
          %dma_wait3A_742 = arith.constant 0 : i32
          %dma_wait3A_743 = arith.constant 0 : i32
          %dma_wait3A_744 = tpu.memref_slice %arg5[%add3A_735, %dma_wait3A_741, %dma_wait3A_736, %dma_wait3A_742, %dma_wait3A_743] : memref<1024x8x4x8x128xf32, #tpu.memory_space<hbm>> -> memref<1x8x1x8x128xf32, #tpu.memory_space<hbm>>
          %dma_wait3A_745 = tpu.memref_squeeze %dma_wait3A_744 : memref<1x8x1x8x128xf32, #tpu.memory_space<hbm>> -> memref<8x8x128xf32, #tpu.memory_space<hbm>>
          %dma_wait3A_746 = arith.constant 0 : i32
          %dma_wait3A_747 = arith.constant 0 : i32
          %dma_wait3A_748 = arith.constant 0 : i32
          %dma_wait3A_749 = tpu.memref_slice %arg5[%add3A_735, %dma_wait3A_746, %dma_wait3A_736, %dma_wait3A_747, %dma_wait3A_748] : memref<1024x8x4x8x128xf32, #tpu.memory_space<hbm>> -> memref<1x8x1x8x128xf32, #tpu.memory_space<hbm>>
          %dma_wait3A_750 = tpu.memref_squeeze %dma_wait3A_749 : memref<1x8x1x8x128xf32, #tpu.memory_space<hbm>> -> memref<8x8x128xf32, #tpu.memory_space<hbm>>
          %dma_wait3A_751 = arith.constant 0 : i32
          %dma_wait3A_752 = arith.constant 0 : i32
          %dma_wait3A_753 = arith.constant 0 : i32
          %dma_wait3A_754 = tpu.memref_slice %arg14[%dma_wait3A_751, %dma_wait3A_752, %dma_wait3A_753] : memref<8x8x129xf32, #tpu.memory_space<vmem>> -> memref<8x8x128xf32, #tpu.memory_space<vmem>>
          tpu.wait_dma2 semaphore(%arg23 : memref<!tpu.dma_semaphore, #tpu.memory_space<semaphore_mem>>) src(%dma_wait3A_754 : memref<8x8x128xf32, #tpu.memory_space<vmem>>) dst(%dma_wait3A_750 : memref<8x8x128xf32, #tpu.memory_space<hbm>>)
        } else {
        }
        %add3A_684 = arith.constant 0 : i32
        %add3A_685 = arith.addi %scan3A_358, %add3A_684 : i32
        %jit3A_686 = arith.constant 8 : i32
        %div3A_687 = arith.divsi %add3A_685, %jit3A_686 : i32
        %sign3A_688 = arith.constant 0 : i32
        %sign3A_689 = arith.cmpi sgt, %add3A_685, %sign3A_688 : i32
        %sign3A_690 = arith.extui %sign3A_689 : i1 to i32
        %sign3A_691 = arith.constant 0 : i32
        %sign3A_692 = arith.cmpi slt, %add3A_685, %sign3A_691 : i32
        %sign3A_693 = arith.extui %sign3A_692 : i1 to i32
        %sign3A_694 = arith.subi %sign3A_690, %sign3A_693 : i32
        %sign3A_695 = arith.constant 0 : i32
        %sign3A_696 = arith.cmpi sgt, %jit3A_686, %sign3A_695 : i32
        %sign3A_697 = arith.extui %sign3A_696 : i1 to i32
        %sign3A_698 = arith.constant 0 : i32
        %sign3A_699 = arith.cmpi slt, %jit3A_686, %sign3A_698 : i32
        %sign3A_700 = arith.extui %sign3A_699 : i1 to i32
        %sign3A_701 = arith.subi %sign3A_697, %sign3A_700 : i32
        %ne3A_702 = arith.cmpi ne, %sign3A_694, %sign3A_701 : i32
        %rem3A_703 = arith.remsi %add3A_685, %jit3A_686 : i32
        %ne3A_704 = arith.constant 0 : i32
        %ne3A_705 = arith.cmpi ne, %rem3A_703, %ne3A_704 : i32
        %and3A_706 = arith.andi %ne3A_702, %ne3A_705 : i1
        %sub3A_707 = arith.constant 1 : i32
        %sub3A_708 = arith.subi %div3A_687, %sub3A_707 : i32
        %select_n3A_709 = arith.select %and3A_706, %sub3A_708, %div3A_687 : i32
        %jit3A_710 = arith.constant 8 : i32
        %eq3A_711 = arith.constant 0 : i32
        %eq3A_712 = arith.cmpi eq, %jit3A_710, %eq3A_711 : i32
        %jit3A_713 = arith.constant 1 : i32
        %select_n3A_714 = arith.select %eq3A_712, %jit3A_713, %jit3A_710 : i32
        %rem3A_715 = arith.remsi %add3A_685, %select_n3A_714 : i32
        %ne3A_716 = arith.constant 0 : i32
        %ne3A_717 = arith.cmpi ne, %rem3A_715, %ne3A_716 : i32
        %lt3A_718 = arith.constant 0 : i32
        %lt3A_719 = arith.cmpi slt, %rem3A_715, %lt3A_718 : i32
        %lt3A_720 = arith.constant 0 : i32
        %lt3A_721 = arith.cmpi slt, %select_n3A_714, %lt3A_720 : i32
        %ne3A_722 = arith.xori %lt3A_719, %lt3A_721 : i1
        %and3A_723 = arith.andi %ne3A_722, %ne3A_717 : i1
        %add3A_724 = arith.addi %rem3A_715, %select_n3A_714 : i32
        %select_n3A_725 = arith.select %and3A_723, %add3A_724, %rem3A_715 : i32
        %dma_start3A_726 = arith.constant 3 : i32
        %dma_start3A_727 = arith.constant 0 : i32
        %dma_start3A_728 = tpu.memref_slice %arg6[%select_n3A_709, %dma_start3A_726, %select_n3A_725, %dma_start3A_727] : memref<4x4x8x128xi32, #tpu.memory_space<vmem>> -> memref<1x1x1x128xi32, #tpu.memory_space<vmem>>
        %dma_start3A_729 = tpu.memref_squeeze %dma_start3A_728 : memref<1x1x1x128xi32, #tpu.memory_space<vmem>> -> memref<128xi32, #tpu.memory_space<vmem>>
        %dma_start3A_730 = arith.constant 0 : i32
        %dma_start3A_731 = arith.constant 0 : i32
        %dma_start3A_732 = tpu.memref_slice %arg3[%dma_start3A_730, %dma_start3A_731] : memref<100000x64xf32, #tpu.memory_space<hbm>> -> memref<100000x64xf32, #tpu.memory_space<hbm>>
        tpu.enqueue_indirect_dma source(%dma_start3A_732 : memref<100000x64xf32, #tpu.memory_space<hbm>>) target(%arg10 : memref<128x64xf32, #tpu.memory_space<vmem>>) offsets(%dma_start3A_729 : memref<128xi32, #tpu.memory_space<vmem>>) semaphore(%arg19 : memref<!tpu.dma_semaphore, #tpu.memory_space<semaphore_mem>>)
      } else {
      }
      %jit3A_448 = arith.constant 8 : i32
      %div3A_449 = arith.divsi %scan3A_358, %jit3A_448 : i32
      %sign3A_450 = arith.constant 0 : i32
      %sign3A_451 = arith.cmpi sgt, %scan3A_358, %sign3A_450 : i32
      %sign3A_452 = arith.extui %sign3A_451 : i1 to i32
      %sign3A_453 = arith.constant 0 : i32
      %sign3A_454 = arith.cmpi slt, %scan3A_358, %sign3A_453 : i32
      %sign3A_455 = arith.extui %sign3A_454 : i1 to i32
      %sign3A_456 = arith.subi %sign3A_452, %sign3A_455 : i32
      %sign3A_457 = arith.constant 0 : i32
      %sign3A_458 = arith.cmpi sgt, %jit3A_448, %sign3A_457 : i32
      %sign3A_459 = arith.extui %sign3A_458 : i1 to i32
      %sign3A_460 = arith.constant 0 : i32
      %sign3A_461 = arith.cmpi slt, %jit3A_448, %sign3A_460 : i32
      %sign3A_462 = arith.extui %sign3A_461 : i1 to i32
      %sign3A_463 = arith.subi %sign3A_459, %sign3A_462 : i32
      %ne3A_464 = arith.cmpi ne, %sign3A_456, %sign3A_463 : i32
      %rem3A_465 = arith.remsi %scan3A_358, %jit3A_448 : i32
      %ne3A_466 = arith.constant 0 : i32
      %ne3A_467 = arith.cmpi ne, %rem3A_465, %ne3A_466 : i32
      %and3A_468 = arith.andi %ne3A_464, %ne3A_467 : i1
      %sub3A_469 = arith.constant 1 : i32
      %sub3A_470 = arith.subi %div3A_449, %sub3A_469 : i32
      %select_n3A_471 = arith.select %and3A_468, %sub3A_470, %div3A_449 : i32
      %jit3A_472 = arith.constant 8 : i32
      %eq3A_473 = arith.constant 0 : i32
      %eq3A_474 = arith.cmpi eq, %jit3A_472, %eq3A_473 : i32
      %jit3A_475 = arith.constant 1 : i32
      %select_n3A_476 = arith.select %eq3A_474, %jit3A_475, %jit3A_472 : i32
      %rem3A_477 = arith.remsi %scan3A_358, %select_n3A_476 : i32
      %ne3A_478 = arith.constant 0 : i32
      %ne3A_479 = arith.cmpi ne, %rem3A_477, %ne3A_478 : i32
      %lt3A_480 = arith.constant 0 : i32
      %lt3A_481 = arith.cmpi slt, %rem3A_477, %lt3A_480 : i32
      %lt3A_482 = arith.constant 0 : i32
      %lt3A_483 = arith.cmpi slt, %select_n3A_476, %lt3A_482 : i32
      %ne3A_484 = arith.xori %lt3A_481, %lt3A_483 : i1
      %and3A_485 = arith.andi %ne3A_484, %ne3A_479 : i1
      %add3A_486 = arith.addi %rem3A_477, %select_n3A_476 : i32
      %select_n3A_487 = arith.select %and3A_485, %add3A_486, %rem3A_477 : i32
      %dma_wait3A_488 = arith.constant 1 : i32
      %dma_wait3A_489 = arith.constant 0 : i32
      %dma_wait3A_490 = tpu.memref_slice %arg6[%select_n3A_471, %dma_wait3A_488, %select_n3A_487, %dma_wait3A_489] : memref<4x4x8x128xi32, #tpu.memory_space<vmem>> -> memref<1x1x1x128xi32, #tpu.memory_space<vmem>>
      %dma_wait3A_491 = tpu.memref_squeeze %dma_wait3A_490 : memref<1x1x1x128xi32, #tpu.memory_space<vmem>> -> memref<128xi32, #tpu.memory_space<vmem>>
      %dma_wait3A_492 = arith.constant 0 : i32
      %dma_wait3A_493 = arith.constant 0 : i32
      %dma_wait3A_494 = tpu.memref_slice %arg3[%dma_wait3A_492, %dma_wait3A_493] : memref<100000x64xf32, #tpu.memory_space<hbm>> -> memref<100000x64xf32, #tpu.memory_space<hbm>>
      tpu.wait_indirect_dma semaphore(%arg17 : memref<!tpu.dma_semaphore, #tpu.memory_space<semaphore_mem>>) src(%dma_wait3A_494 : memref<100000x64xf32, #tpu.memory_space<hbm>>) dst(%arg8 : memref<128x64xf32, #tpu.memory_space<vmem>>)
      %add3A_495 = arith.addi %mul3A_2, %scan3A_358 : i32
      %parallel_loop3A_496 = arith.constant 0 : i32
      %parallel_loop3A_497 = arith.constant 128 : i32
      %parallel_loop3A_498 = arith.constant 1 : i32
      scf.for %parallel_loop3A_680 = %parallel_loop3A_496 to %parallel_loop3A_497 step %parallel_loop3A_498  : i32 {
        %parallel_loop3A_681 = vector.broadcast %parallel_loop3A_680 : i32 to vector<16xi32>
        %parallel_loop3A_682 = arith.index_cast %parallel_loop3A_680 : i32 to index
        %parallel_loop3A_683 = arith.constant 0 : index
        %parallel_loop3A_684 = tpu.vector_load %arg8[%parallel_loop3A_682, %parallel_loop3A_683] {strides = array<i32>} : memref<128x64xf32, #tpu.memory_space<vmem>>, vector<16xf32>,
        %parallel_loop3A_685 = arith.constant 128 : i32
        %parallel_loop3A_686 = arith.addi %parallel_loop3A_685, %parallel_loop3A_680 : i32
        %parallel_loop3A_687 = arith.index_cast %parallel_loop3A_686 : i32 to index
        %parallel_loop3A_688 = arith.constant 0 : index
        %parallel_loop3A_689 = tpu.vector_load %arg15[%parallel_loop3A_687, %parallel_loop3A_688] {strides = array<i32>} : memref<512x64xf32, #tpu.memory_space<vmem>>, vector<16xf32>,
        %parallel_loop3A_690 = arith.addf %parallel_loop3A_684, %parallel_loop3A_689 : vector<16xf32>
        tpu.vector_store_idx %arg12[%select_n3A, %select_n3A_153, %parallel_loop3A_681], %parallel_loop3A_690 : memref<8x8x129xf32, #tpu.memory_space<vmem>>[vector<16xi32>, vector<16xi32>, vector<16xi32>], vector<16xf32>,
        %parallel_loop3A_691 = arith.index_cast %parallel_loop3A_680 : i32 to index
        %parallel_loop3A_692 = arith.constant 16 : index
        %parallel_loop3A_693 = tpu.vector_load %arg8[%parallel_loop3A_691, %parallel_loop3A_692] {strides = array<i32>} : memref<128x64xf32, #tpu.memory_space<vmem>>, vector<16xf32>,
        %parallel_loop3A_694 = arith.constant 128 : i32
        %parallel_loop3A_695 = arith.addi %parallel_loop3A_694, %parallel_loop3A_680 : i32
        %parallel_loop3A_696 = arith.index_cast %parallel_loop3A_695 : i32 to index
        %parallel_loop3A_697 = arith.constant 16 : index
        %parallel_loop3A_698 = tpu.vector_load %arg15[%parallel_loop3A_696, %parallel_loop3A_697] {strides = array<i32>} : memref<512x64xf32, #tpu.memory_space<vmem>>, vector<16xf32>,
        %parallel_loop3A_699 = arith.addf %parallel_loop3A_693, %parallel_loop3A_698 : vector<16xf32>
        tpu.vector_store_idx %arg12[%select_n3A_62, %select_n3A_178, %parallel_loop3A_681], %parallel_loop3A_699 : memref<8x8x129xf32, #tpu.memory_space<vmem>>[vector<16xi32>, vector<16xi32>, vector<16xi32>], vector<16xf32>,
        %parallel_loop3A_700 = arith.index_cast %parallel_loop3A_680 : i32 to index
        %parallel_loop3A_701 = arith.constant 32 : index
        %parallel_loop3A_702 = tpu.vector_load %arg8[%parallel_loop3A_700, %parallel_loop3A_701] {strides = array<i32>} : memref<128x64xf32, #tpu.memory_space<vmem>>, vector<16xf32>,
        %parallel_loop3A_703 = arith.constant 128 : i32
        %parallel_loop3A_704 = arith.addi %parallel_loop3A_703, %parallel_loop3A_680 : i32
        %parallel_loop3A_705 = arith.index_cast %parallel_loop3A_704 : i32 to index
        %parallel_loop3A_706 = arith.constant 32 : index
        %parallel_loop3A_707 = tpu.vector_load %arg15[%parallel_loop3A_705, %parallel_loop3A_706] {strides = array<i32>} : memref<512x64xf32, #tpu.memory_space<vmem>>, vector<16xf32>,
        %parallel_loop3A_708 = arith.addf %parallel_loop3A_702, %parallel_loop3A_707 : vector<16xf32>
        tpu.vector_store_idx %arg12[%select_n3A_96, %select_n3A_203, %parallel_loop3A_681], %parallel_loop3A_708 : memref<8x8x129xf32, #tpu.memory_space<vmem>>[vector<16xi32>, vector<16xi32>, vector<16xi32>], vector<16xf32>,
        %parallel_loop3A_709 = arith.index_cast %parallel_loop3A_680 : i32 to index
        %parallel_loop3A_710 = arith.constant 48 : index
        %parallel_loop3A_711 = tpu.vector_load %arg8[%parallel_loop3A_709, %parallel_loop3A_710] {strides = array<i32>} : memref<128x64xf32, #tpu.memory_space<vmem>>, vector<16xf32>,
        %parallel_loop3A_712 = arith.constant 128 : i32
        %parallel_loop3A_713 = arith.addi %parallel_loop3A_712, %parallel_loop3A_680 : i32
        %parallel_loop3A_714 = arith.index_cast %parallel_loop3A_713 : i32 to index
        %parallel_loop3A_715 = arith.constant 48 : index
        %parallel_loop3A_716 = tpu.vector_load %arg15[%parallel_loop3A_714, %parallel_loop3A_715] {strides = array<i32>} : memref<512x64xf32, #tpu.memory_space<vmem>>, vector<16xf32>,
        %parallel_loop3A_717 = arith.addf %parallel_loop3A_711, %parallel_loop3A_716 : vector<16xf32>
        tpu.vector_store_idx %arg12[%select_n3A_130, %select_n3A_228, %parallel_loop3A_681], %parallel_loop3A_717 : memref<8x8x129xf32, #tpu.memory_space<vmem>>[vector<16xi32>, vector<16xi32>, vector<16xi32>], vector<16xf32>,
      } {sc.loop_unroll_factor = 4 : i64, sc.parallel_access}
      %dma_start3A_499 = arith.constant 1 : i32
      %dma_start3A_500 = arith.constant 0 : i32
      %dma_start3A_501 = arith.constant 0 : i32
      %dma_start3A_502 = arith.constant 0 : i32
      %dma_start3A_503 = tpu.memref_slice %arg12[%dma_start3A_500, %dma_start3A_501, %dma_start3A_502] : memref<8x8x129xf32, #tpu.memory_space<vmem>> -> memref<8x8x128xf32, #tpu.memory_space<vmem>>
      %dma_start3A_504 = arith.constant 0 : i32
      %dma_start3A_505 = arith.constant 0 : i32
      %dma_start3A_506 = arith.constant 0 : i32
      %dma_start3A_507 = tpu.memref_slice %arg5[%add3A_495, %dma_start3A_504, %dma_start3A_499, %dma_start3A_505, %dma_start3A_506] : memref<1024x8x4x8x128xf32, #tpu.memory_space<hbm>> -> memref<1x8x1x8x128xf32, #tpu.memory_space<hbm>>
      %dma_start3A_508 = tpu.memref_squeeze %dma_start3A_507 : memref<1x8x1x8x128xf32, #tpu.memory_space<hbm>> -> memref<8x8x128xf32, #tpu.memory_space<hbm>>
      %dma_start3A_509 = arith.constant 0 : i32
      %dma_start3A_510 = arith.constant 0 : i32
      %dma_start3A_511 = arith.constant 0 : i32
      %dma_start3A_512 = tpu.memref_slice %arg5[%add3A_495, %dma_start3A_509, %dma_start3A_499, %dma_start3A_510, %dma_start3A_511] : memref<1024x8x4x8x128xf32, #tpu.memory_space<hbm>> -> memref<1x8x1x8x128xf32, #tpu.memory_space<hbm>>
      %dma_start3A_513 = tpu.memref_squeeze %dma_start3A_512 : memref<1x8x1x8x128xf32, #tpu.memory_space<hbm>> -> memref<8x8x128xf32, #tpu.memory_space<hbm>>
      %dma_start3A_514 = arith.constant 0 : i32
      %dma_start3A_515 = arith.constant 0 : i32
      %dma_start3A_516 = arith.constant 0 : i32
      %dma_start3A_517 = tpu.memref_slice %arg12[%dma_start3A_514, %dma_start3A_515, %dma_start3A_516] : memref<8x8x129xf32, #tpu.memory_space<vmem>> -> memref<8x8x128xf32, #tpu.memory_space<vmem>>
      tpu.enqueue_dma source(%dma_start3A_517 : memref<8x8x128xf32, #tpu.memory_space<vmem>>) target(%dma_start3A_513 : memref<8x8x128xf32, #tpu.memory_space<hbm>>) target_semaphore(%arg21 : memref<!tpu.dma_semaphore, #tpu.memory_space<semaphore_mem>>)
      %mul3A_518 = arith.constant 4 : i32
      %mul3A_519 = arith.muli %scan3A_358, %mul3A_518 : i32
      %add3A_520 = arith.constant 2 : i32
      %add3A_521 = arith.addi %mul3A_519, %add3A_520 : i32
      %add3A_522 = arith.constant 2 : i32
      %add3A_523 = arith.addi %add3A_521, %add3A_522 : i32
      %lt3A_524 = arith.constant 128 : i32
      %lt3A_525 = arith.cmpi slt, %add3A_523, %lt3A_524 : i32
      %convert_element_type3A_526 = arith.extui %lt3A_525 : i1 to i32
      %cond3A_527 = arith.constant 0 : i32
      %cond3A_528 = arith.cmpi ne, %convert_element_type3A_526, %cond3A_527 : i32
      scf.if %cond3A_528 {
        %ge3A = arith.constant 2 : i32
        %ge3A_680 = arith.cmpi sge, %add3A_521, %ge3A : i32
        %convert_element_type3A_681 = arith.extui %ge3A_680 : i1 to i32
        %cond3A_682 = arith.constant 0 : i32
        %cond3A_683 = arith.cmpi ne, %convert_element_type3A_681, %cond3A_682 : i32
        scf.if %cond3A_683 {
          %add3A_733 = arith.constant 0 : i32
          %add3A_734 = arith.addi %scan3A_358, %add3A_733 : i32
          %add3A_735 = arith.addi %mul3A_2, %add3A_734 : i32
          %dma_wait3A_736 = arith.constant 0 : i32
          %dma_wait3A_737 = arith.constant 0 : i32
          %dma_wait3A_738 = arith.constant 0 : i32
          %dma_wait3A_739 = arith.constant 0 : i32
          %dma_wait3A_740 = tpu.memref_slice %arg11[%dma_wait3A_737, %dma_wait3A_738, %dma_wait3A_739] : memref<8x8x129xf32, #tpu.memory_space<vmem>> -> memref<8x8x128xf32, #tpu.memory_space<vmem>>
          %dma_wait3A_741 = arith.constant 0 : i32
          %dma_wait3A_742 = arith.constant 0 : i32
          %dma_wait3A_743 = arith.constant 0 : i32
          %dma_wait3A_744 = tpu.memref_slice %arg5[%add3A_735, %dma_wait3A_741, %dma_wait3A_736, %dma_wait3A_742, %dma_wait3A_743] : memref<1024x8x4x8x128xf32, #tpu.memory_space<hbm>> -> memref<1x8x1x8x128xf32, #tpu.memory_space<hbm>>
          %dma_wait3A_745 = tpu.memref_squeeze %dma_wait3A_744 : memref<1x8x1x8x128xf32, #tpu.memory_space<hbm>> -> memref<8x8x128xf32, #tpu.memory_space<hbm>>
          %dma_wait3A_746 = arith.constant 0 : i32
          %dma_wait3A_747 = arith.constant 0 : i32
          %dma_wait3A_748 = arith.constant 0 : i32
          %dma_wait3A_749 = tpu.memref_slice %arg5[%add3A_735, %dma_wait3A_746, %dma_wait3A_736, %dma_wait3A_747, %dma_wait3A_748] : memref<1024x8x4x8x128xf32, #tpu.memory_space<hbm>> -> memref<1x8x1x8x128xf32, #tpu.memory_space<hbm>>
          %dma_wait3A_750 = tpu.memref_squeeze %dma_wait3A_749 : memref<1x8x1x8x128xf32, #tpu.memory_space<hbm>> -> memref<8x8x128xf32, #tpu.memory_space<hbm>>
          %dma_wait3A_751 = arith.constant 0 : i32
          %dma_wait3A_752 = arith.constant 0 : i32
          %dma_wait3A_753 = arith.constant 0 : i32
          %dma_wait3A_754 = tpu.memref_slice %arg11[%dma_wait3A_751, %dma_wait3A_752, %dma_wait3A_753] : memref<8x8x129xf32, #tpu.memory_space<vmem>> -> memref<8x8x128xf32, #tpu.memory_space<vmem>>
          tpu.wait_dma2 semaphore(%arg20 : memref<!tpu.dma_semaphore, #tpu.memory_space<semaphore_mem>>) src(%dma_wait3A_754 : memref<8x8x128xf32, #tpu.memory_space<vmem>>) dst(%dma_wait3A_750 : memref<8x8x128xf32, #tpu.memory_space<hbm>>)
        } else {
        }
        %add3A_684 = arith.constant 1 : i32
        %add3A_685 = arith.addi %scan3A_358, %add3A_684 : i32
        %jit3A_686 = arith.constant 8 : i32
        %div3A_687 = arith.divsi %add3A_685, %jit3A_686 : i32
        %sign3A_688 = arith.constant 0 : i32
        %sign3A_689 = arith.cmpi sgt, %add3A_685, %sign3A_688 : i32
        %sign3A_690 = arith.extui %sign3A_689 : i1 to i32
        %sign3A_691 = arith.constant 0 : i32
        %sign3A_692 = arith.cmpi slt, %add3A_685, %sign3A_691 : i32
        %sign3A_693 = arith.extui %sign3A_692 : i1 to i32
        %sign3A_694 = arith.subi %sign3A_690, %sign3A_693 : i32
        %sign3A_695 = arith.constant 0 : i32
        %sign3A_696 = arith.cmpi sgt, %jit3A_686, %sign3A_695 : i32
        %sign3A_697 = arith.extui %sign3A_696 : i1 to i32
        %sign3A_698 = arith.constant 0 : i32
        %sign3A_699 = arith.cmpi slt, %jit3A_686, %sign3A_698 : i32
        %sign3A_700 = arith.extui %sign3A_699 : i1 to i32
        %sign3A_701 = arith.subi %sign3A_697, %sign3A_700 : i32
        %ne3A_702 = arith.cmpi ne, %sign3A_694, %sign3A_701 : i32
        %rem3A_703 = arith.remsi %add3A_685, %jit3A_686 : i32
        %ne3A_704 = arith.constant 0 : i32
        %ne3A_705 = arith.cmpi ne, %rem3A_703, %ne3A_704 : i32
        %and3A_706 = arith.andi %ne3A_702, %ne3A_705 : i1
        %sub3A_707 = arith.constant 1 : i32
        %sub3A_708 = arith.subi %div3A_687, %sub3A_707 : i32
        %select_n3A_709 = arith.select %and3A_706, %sub3A_708, %div3A_687 : i32
        %jit3A_710 = arith.constant 8 : i32
        %eq3A_711 = arith.constant 0 : i32
        %eq3A_712 = arith.cmpi eq, %jit3A_710, %eq3A_711 : i32
        %jit3A_713 = arith.constant 1 : i32
        %select_n3A_714 = arith.select %eq3A_712, %jit3A_713, %jit3A_710 : i32
        %rem3A_715 = arith.remsi %add3A_685, %select_n3A_714 : i32
        %ne3A_716 = arith.constant 0 : i32
        %ne3A_717 = arith.cmpi ne, %rem3A_715, %ne3A_716 : i32
        %lt3A_718 = arith.constant 0 : i32
        %lt3A_719 = arith.cmpi slt, %rem3A_715, %lt3A_718 : i32
        %lt3A_720 = arith.constant 0 : i32
        %lt3A_721 = arith.cmpi slt, %select_n3A_714, %lt3A_720 : i32
        %ne3A_722 = arith.xori %lt3A_719, %lt3A_721 : i1
        %and3A_723 = arith.andi %ne3A_722, %ne3A_717 : i1
        %add3A_724 = arith.addi %rem3A_715, %select_n3A_714 : i32
        %select_n3A_725 = arith.select %and3A_723, %add3A_724, %rem3A_715 : i32
        %dma_start3A_726 = arith.constant 0 : i32
        %dma_start3A_727 = arith.constant 0 : i32
        %dma_start3A_728 = tpu.memref_slice %arg6[%select_n3A_709, %dma_start3A_726, %select_n3A_725, %dma_start3A_727] : memref<4x4x8x128xi32, #tpu.memory_space<vmem>> -> memref<1x1x1x128xi32, #tpu.memory_space<vmem>>
        %dma_start3A_729 = tpu.memref_squeeze %dma_start3A_728 : memref<1x1x1x128xi32, #tpu.memory_space<vmem>> -> memref<128xi32, #tpu.memory_space<vmem>>
        %dma_start3A_730 = arith.constant 0 : i32
        %dma_start3A_731 = arith.constant 0 : i32
        %dma_start3A_732 = tpu.memref_slice %arg3[%dma_start3A_730, %dma_start3A_731] : memref<100000x64xf32, #tpu.memory_space<hbm>> -> memref<100000x64xf32, #tpu.memory_space<hbm>>
        tpu.enqueue_indirect_dma source(%dma_start3A_732 : memref<100000x64xf32, #tpu.memory_space<hbm>>) target(%arg7 : memref<128x64xf32, #tpu.memory_space<vmem>>) offsets(%dma_start3A_729 : memref<128xi32, #tpu.memory_space<vmem>>) semaphore(%arg16 : memref<!tpu.dma_semaphore, #tpu.memory_space<semaphore_mem>>)
      } else {
      }
      %jit3A_529 = arith.constant 8 : i32
      %div3A_530 = arith.divsi %scan3A_358, %jit3A_529 : i32
      %sign3A_531 = arith.constant 0 : i32
      %sign3A_532 = arith.cmpi sgt, %scan3A_358, %sign3A_531 : i32
      %sign3A_533 = arith.extui %sign3A_532 : i1 to i32
      %sign3A_534 = arith.constant 0 : i32
      %sign3A_535 = arith.cmpi slt, %scan3A_358, %sign3A_534 : i32
      %sign3A_536 = arith.extui %sign3A_535 : i1 to i32
      %sign3A_537 = arith.subi %sign3A_533, %sign3A_536 : i32
      %sign3A_538 = arith.constant 0 : i32
      %sign3A_539 = arith.cmpi sgt, %jit3A_529, %sign3A_538 : i32
      %sign3A_540 = arith.extui %sign3A_539 : i1 to i32
      %sign3A_541 = arith.constant 0 : i32
      %sign3A_542 = arith.cmpi slt, %jit3A_529, %sign3A_541 : i32
      %sign3A_543 = arith.extui %sign3A_542 : i1 to i32
      %sign3A_544 = arith.subi %sign3A_540, %sign3A_543 : i32
      %ne3A_545 = arith.cmpi ne, %sign3A_537, %sign3A_544 : i32
      %rem3A_546 = arith.remsi %scan3A_358, %jit3A_529 : i32
      %ne3A_547 = arith.constant 0 : i32
      %ne3A_548 = arith.cmpi ne, %rem3A_546, %ne3A_547 : i32
      %and3A_549 = arith.andi %ne3A_545, %ne3A_548 : i1
      %sub3A_550 = arith.constant 1 : i32
      %sub3A_551 = arith.subi %div3A_530, %sub3A_550 : i32
      %select_n3A_552 = arith.select %and3A_549, %sub3A_551, %div3A_530 : i32
      %jit3A_553 = arith.constant 8 : i32
      %eq3A_554 = arith.constant 0 : i32
      %eq3A_555 = arith.cmpi eq, %jit3A_553, %eq3A_554 : i32
      %jit3A_556 = arith.constant 1 : i32
      %select_n3A_557 = arith.select %eq3A_555, %jit3A_556, %jit3A_553 : i32
      %rem3A_558 = arith.remsi %scan3A_358, %select_n3A_557 : i32
      %ne3A_559 = arith.constant 0 : i32
      %ne3A_560 = arith.cmpi ne, %rem3A_558, %ne3A_559 : i32
      %lt3A_561 = arith.constant 0 : i32
      %lt3A_562 = arith.cmpi slt, %rem3A_558, %lt3A_561 : i32
      %lt3A_563 = arith.constant 0 : i32
      %lt3A_564 = arith.cmpi slt, %select_n3A_557, %lt3A_563 : i32
      %ne3A_565 = arith.xori %lt3A_562, %lt3A_564 : i1
      %and3A_566 = arith.andi %ne3A_565, %ne3A_560 : i1
      %add3A_567 = arith.addi %rem3A_558, %select_n3A_557 : i32
      %select_n3A_568 = arith.select %and3A_566, %add3A_567, %rem3A_558 : i32
      %dma_wait3A_569 = arith.constant 2 : i32
      %dma_wait3A_570 = arith.constant 0 : i32
      %dma_wait3A_571 = tpu.memref_slice %arg6[%select_n3A_552, %dma_wait3A_569, %select_n3A_568, %dma_wait3A_570] : memref<4x4x8x128xi32, #tpu.memory_space<vmem>> -> memref<1x1x1x128xi32, #tpu.memory_space<vmem>>
      %dma_wait3A_572 = tpu.memref_squeeze %dma_wait3A_571 : memref<1x1x1x128xi32, #tpu.memory_space<vmem>> -> memref<128xi32, #tpu.memory_space<vmem>>
      %dma_wait3A_573 = arith.constant 0 : i32
      %dma_wait3A_574 = arith.constant 0 : i32
      %dma_wait3A_575 = tpu.memref_slice %arg3[%dma_wait3A_573, %dma_wait3A_574] : memref<100000x64xf32, #tpu.memory_space<hbm>> -> memref<100000x64xf32, #tpu.memory_space<hbm>>
      tpu.wait_indirect_dma semaphore(%arg18 : memref<!tpu.dma_semaphore, #tpu.memory_space<semaphore_mem>>) src(%dma_wait3A_575 : memref<100000x64xf32, #tpu.memory_space<hbm>>) dst(%arg9 : memref<128x64xf32, #tpu.memory_space<vmem>>)
      %add3A_576 = arith.addi %mul3A_2, %scan3A_358 : i32
      %parallel_loop3A_577 = arith.constant 0 : i32
      %parallel_loop3A_578 = arith.constant 128 : i32
      %parallel_loop3A_579 = arith.constant 1 : i32
      scf.for %parallel_loop3A_680 = %parallel_loop3A_577 to %parallel_loop3A_578 step %parallel_loop3A_579  : i32 {
        %parallel_loop3A_681 = vector.broadcast %parallel_loop3A_680 : i32 to vector<16xi32>
        %parallel_loop3A_682 = arith.index_cast %parallel_loop3A_680 : i32 to index
        %parallel_loop3A_683 = arith.constant 0 : index
        %parallel_loop3A_684 = tpu.vector_load %arg9[%parallel_loop3A_682, %parallel_loop3A_683] {strides = array<i32>} : memref<128x64xf32, #tpu.memory_space<vmem>>, vector<16xf32>,
        %parallel_loop3A_685 = arith.constant 256 : i32
        %parallel_loop3A_686 = arith.addi %parallel_loop3A_685, %parallel_loop3A_680 : i32
        %parallel_loop3A_687 = arith.index_cast %parallel_loop3A_686 : i32 to index
        %parallel_loop3A_688 = arith.constant 0 : index
        %parallel_loop3A_689 = tpu.vector_load %arg15[%parallel_loop3A_687, %parallel_loop3A_688] {strides = array<i32>} : memref<512x64xf32, #tpu.memory_space<vmem>>, vector<16xf32>,
        %parallel_loop3A_690 = arith.addf %parallel_loop3A_684, %parallel_loop3A_689 : vector<16xf32>
        tpu.vector_store_idx %arg13[%select_n3A, %select_n3A_153, %parallel_loop3A_681], %parallel_loop3A_690 : memref<8x8x129xf32, #tpu.memory_space<vmem>>[vector<16xi32>, vector<16xi32>, vector<16xi32>], vector<16xf32>,
        %parallel_loop3A_691 = arith.index_cast %parallel_loop3A_680 : i32 to index
        %parallel_loop3A_692 = arith.constant 16 : index
        %parallel_loop3A_693 = tpu.vector_load %arg9[%parallel_loop3A_691, %parallel_loop3A_692] {strides = array<i32>} : memref<128x64xf32, #tpu.memory_space<vmem>>, vector<16xf32>,
        %parallel_loop3A_694 = arith.constant 256 : i32
        %parallel_loop3A_695 = arith.addi %parallel_loop3A_694, %parallel_loop3A_680 : i32
        %parallel_loop3A_696 = arith.index_cast %parallel_loop3A_695 : i32 to index
        %parallel_loop3A_697 = arith.constant 16 : index
        %parallel_loop3A_698 = tpu.vector_load %arg15[%parallel_loop3A_696, %parallel_loop3A_697] {strides = array<i32>} : memref<512x64xf32, #tpu.memory_space<vmem>>, vector<16xf32>,
        %parallel_loop3A_699 = arith.addf %parallel_loop3A_693, %parallel_loop3A_698 : vector<16xf32>
        tpu.vector_store_idx %arg13[%select_n3A_62, %select_n3A_178, %parallel_loop3A_681], %parallel_loop3A_699 : memref<8x8x129xf32, #tpu.memory_space<vmem>>[vector<16xi32>, vector<16xi32>, vector<16xi32>], vector<16xf32>,
        %parallel_loop3A_700 = arith.index_cast %parallel_loop3A_680 : i32 to index
        %parallel_loop3A_701 = arith.constant 32 : index
        %parallel_loop3A_702 = tpu.vector_load %arg9[%parallel_loop3A_700, %parallel_loop3A_701] {strides = array<i32>} : memref<128x64xf32, #tpu.memory_space<vmem>>, vector<16xf32>,
        %parallel_loop3A_703 = arith.constant 256 : i32
        %parallel_loop3A_704 = arith.addi %parallel_loop3A_703, %parallel_loop3A_680 : i32
        %parallel_loop3A_705 = arith.index_cast %parallel_loop3A_704 : i32 to index
        %parallel_loop3A_706 = arith.constant 32 : index
        %parallel_loop3A_707 = tpu.vector_load %arg15[%parallel_loop3A_705, %parallel_loop3A_706] {strides = array<i32>} : memref<512x64xf32, #tpu.memory_space<vmem>>, vector<16xf32>,
        %parallel_loop3A_708 = arith.addf %parallel_loop3A_702, %parallel_loop3A_707 : vector<16xf32>
        tpu.vector_store_idx %arg13[%select_n3A_96, %select_n3A_203, %parallel_loop3A_681], %parallel_loop3A_708 : memref<8x8x129xf32, #tpu.memory_space<vmem>>[vector<16xi32>, vector<16xi32>, vector<16xi32>], vector<16xf32>,
        %parallel_loop3A_709 = arith.index_cast %parallel_loop3A_680 : i32 to index
        %parallel_loop3A_710 = arith.constant 48 : index
        %parallel_loop3A_711 = tpu.vector_load %arg9[%parallel_loop3A_709, %parallel_loop3A_710] {strides = array<i32>} : memref<128x64xf32, #tpu.memory_space<vmem>>, vector<16xf32>,
        %parallel_loop3A_712 = arith.constant 256 : i32
        %parallel_loop3A_713 = arith.addi %parallel_loop3A_712, %parallel_loop3A_680 : i32
        %parallel_loop3A_714 = arith.index_cast %parallel_loop3A_713 : i32 to index
        %parallel_loop3A_715 = arith.constant 48 : index
        %parallel_loop3A_716 = tpu.vector_load %arg15[%parallel_loop3A_714, %parallel_loop3A_715] {strides = array<i32>} : memref<512x64xf32, #tpu.memory_space<vmem>>, vector<16xf32>,
        %parallel_loop3A_717 = arith.addf %parallel_loop3A_711, %parallel_loop3A_716 : vector<16xf32>
        tpu.vector_store_idx %arg13[%select_n3A_130, %select_n3A_228, %parallel_loop3A_681], %parallel_loop3A_717 : memref<8x8x129xf32, #tpu.memory_space<vmem>>[vector<16xi32>, vector<16xi32>, vector<16xi32>], vector<16xf32>,
      } {sc.loop_unroll_factor = 4 : i64, sc.parallel_access}
      %dma_start3A_580 = arith.constant 2 : i32
      %dma_start3A_581 = arith.constant 0 : i32
      %dma_start3A_582 = arith.constant 0 : i32
      %dma_start3A_583 = arith.constant 0 : i32
      %dma_start3A_584 = tpu.memref_slice %arg13[%dma_start3A_581, %dma_start3A_582, %dma_start3A_583] : memref<8x8x129xf32, #tpu.memory_space<vmem>> -> memref<8x8x128xf32, #tpu.memory_space<vmem>>
      %dma_start3A_585 = arith.constant 0 : i32
      %dma_start3A_586 = arith.constant 0 : i32
      %dma_start3A_587 = arith.constant 0 : i32
      %dma_start3A_588 = tpu.memref_slice %arg5[%add3A_576, %dma_start3A_585, %dma_start3A_580, %dma_start3A_586, %dma_start3A_587] : memref<1024x8x4x8x128xf32, #tpu.memory_space<hbm>> -> memref<1x8x1x8x128xf32, #tpu.memory_space<hbm>>
      %dma_start3A_589 = tpu.memref_squeeze %dma_start3A_588 : memref<1x8x1x8x128xf32, #tpu.memory_space<hbm>> -> memref<8x8x128xf32, #tpu.memory_space<hbm>>
      %dma_start3A_590 = arith.constant 0 : i32
      %dma_start3A_591 = arith.constant 0 : i32
      %dma_start3A_592 = arith.constant 0 : i32
      %dma_start3A_593 = tpu.memref_slice %arg5[%add3A_576, %dma_start3A_590, %dma_start3A_580, %dma_start3A_591, %dma_start3A_592] : memref<1024x8x4x8x128xf32, #tpu.memory_space<hbm>> -> memref<1x8x1x8x128xf32, #tpu.memory_space<hbm>>
      %dma_start3A_594 = tpu.memref_squeeze %dma_start3A_593 : memref<1x8x1x8x128xf32, #tpu.memory_space<hbm>> -> memref<8x8x128xf32, #tpu.memory_space<hbm>>
      %dma_start3A_595 = arith.constant 0 : i32
      %dma_start3A_596 = arith.constant 0 : i32
      %dma_start3A_597 = arith.constant 0 : i32
      %dma_start3A_598 = tpu.memref_slice %arg13[%dma_start3A_595, %dma_start3A_596, %dma_start3A_597] : memref<8x8x129xf32, #tpu.memory_space<vmem>> -> memref<8x8x128xf32, #tpu.memory_space<vmem>>
      tpu.enqueue_dma source(%dma_start3A_598 : memref<8x8x128xf32, #tpu.memory_space<vmem>>) target(%dma_start3A_594 : memref<8x8x128xf32, #tpu.memory_space<hbm>>) target_semaphore(%arg22 : memref<!tpu.dma_semaphore, #tpu.memory_space<semaphore_mem>>)
      %mul3A_599 = arith.constant 4 : i32
      %mul3A_600 = arith.muli %scan3A_358, %mul3A_599 : i32
      %add3A_601 = arith.constant 3 : i32
      %add3A_602 = arith.addi %mul3A_600, %add3A_601 : i32
      %add3A_603 = arith.constant 2 : i32
      %add3A_604 = arith.addi %add3A_602, %add3A_603 : i32
      %lt3A_605 = arith.constant 128 : i32
      %lt3A_606 = arith.cmpi slt, %add3A_604, %lt3A_605 : i32
      %convert_element_type3A_607 = arith.extui %lt3A_606 : i1 to i32
      %cond3A_608 = arith.constant 0 : i32
      %cond3A_609 = arith.cmpi ne, %convert_element_type3A_607, %cond3A_608 : i32
      scf.if %cond3A_609 {
        %ge3A = arith.constant 2 : i32
        %ge3A_680 = arith.cmpi sge, %add3A_602, %ge3A : i32
        %convert_element_type3A_681 = arith.extui %ge3A_680 : i1 to i32
        %cond3A_682 = arith.constant 0 : i32
        %cond3A_683 = arith.cmpi ne, %convert_element_type3A_681, %cond3A_682 : i32
        scf.if %cond3A_683 {
          %add3A_733 = arith.constant 0 : i32
          %add3A_734 = arith.addi %scan3A_358, %add3A_733 : i32
          %add3A_735 = arith.addi %mul3A_2, %add3A_734 : i32
          %dma_wait3A_736 = arith.constant 1 : i32
          %dma_wait3A_737 = arith.constant 0 : i32
          %dma_wait3A_738 = arith.constant 0 : i32
          %dma_wait3A_739 = arith.constant 0 : i32
          %dma_wait3A_740 = tpu.memref_slice %arg12[%dma_wait3A_737, %dma_wait3A_738, %dma_wait3A_739] : memref<8x8x129xf32, #tpu.memory_space<vmem>> -> memref<8x8x128xf32, #tpu.memory_space<vmem>>
          %dma_wait3A_741 = arith.constant 0 : i32
          %dma_wait3A_742 = arith.constant 0 : i32
          %dma_wait3A_743 = arith.constant 0 : i32
          %dma_wait3A_744 = tpu.memref_slice %arg5[%add3A_735, %dma_wait3A_741, %dma_wait3A_736, %dma_wait3A_742, %dma_wait3A_743] : memref<1024x8x4x8x128xf32, #tpu.memory_space<hbm>> -> memref<1x8x1x8x128xf32, #tpu.memory_space<hbm>>
          %dma_wait3A_745 = tpu.memref_squeeze %dma_wait3A_744 : memref<1x8x1x8x128xf32, #tpu.memory_space<hbm>> -> memref<8x8x128xf32, #tpu.memory_space<hbm>>
          %dma_wait3A_746 = arith.constant 0 : i32
          %dma_wait3A_747 = arith.constant 0 : i32
          %dma_wait3A_748 = arith.constant 0 : i32
          %dma_wait3A_749 = tpu.memref_slice %arg5[%add3A_735, %dma_wait3A_746, %dma_wait3A_736, %dma_wait3A_747, %dma_wait3A_748] : memref<1024x8x4x8x128xf32, #tpu.memory_space<hbm>> -> memref<1x8x1x8x128xf32, #tpu.memory_space<hbm>>
          %dma_wait3A_750 = tpu.memref_squeeze %dma_wait3A_749 : memref<1x8x1x8x128xf32, #tpu.memory_space<hbm>> -> memref<8x8x128xf32, #tpu.memory_space<hbm>>
          %dma_wait3A_751 = arith.constant 0 : i32
          %dma_wait3A_752 = arith.constant 0 : i32
          %dma_wait3A_753 = arith.constant 0 : i32
          %dma_wait3A_754 = tpu.memref_slice %arg12[%dma_wait3A_751, %dma_wait3A_752, %dma_wait3A_753] : memref<8x8x129xf32, #tpu.memory_space<vmem>> -> memref<8x8x128xf32, #tpu.memory_space<vmem>>
          tpu.wait_dma2 semaphore(%arg21 : memref<!tpu.dma_semaphore, #tpu.memory_space<semaphore_mem>>) src(%dma_wait3A_754 : memref<8x8x128xf32, #tpu.memory_space<vmem>>) dst(%dma_wait3A_750 : memref<8x8x128xf32, #tpu.memory_space<hbm>>)
        } else {
        }
        %add3A_684 = arith.constant 1 : i32
        %add3A_685 = arith.addi %scan3A_358, %add3A_684 : i32
        %jit3A_686 = arith.constant 8 : i32
        %div3A_687 = arith.divsi %add3A_685, %jit3A_686 : i32
        %sign3A_688 = arith.constant 0 : i32
        %sign3A_689 = arith.cmpi sgt, %add3A_685, %sign3A_688 : i32
        %sign3A_690 = arith.extui %sign3A_689 : i1 to i32
        %sign3A_691 = arith.constant 0 : i32
        %sign3A_692 = arith.cmpi slt, %add3A_685, %sign3A_691 : i32
        %sign3A_693 = arith.extui %sign3A_692 : i1 to i32
        %sign3A_694 = arith.subi %sign3A_690, %sign3A_693 : i32
        %sign3A_695 = arith.constant 0 : i32
        %sign3A_696 = arith.cmpi sgt, %jit3A_686, %sign3A_695 : i32
        %sign3A_697 = arith.extui %sign3A_696 : i1 to i32
        %sign3A_698 = arith.constant 0 : i32
        %sign3A_699 = arith.cmpi slt, %jit3A_686, %sign3A_698 : i32
        %sign3A_700 = arith.extui %sign3A_699 : i1 to i32
        %sign3A_701 = arith.subi %sign3A_697, %sign3A_700 : i32
        %ne3A_702 = arith.cmpi ne, %sign3A_694, %sign3A_701 : i32
        %rem3A_703 = arith.remsi %add3A_685, %jit3A_686 : i32
        %ne3A_704 = arith.constant 0 : i32
        %ne3A_705 = arith.cmpi ne, %rem3A_703, %ne3A_704 : i32
        %and3A_706 = arith.andi %ne3A_702, %ne3A_705 : i1
        %sub3A_707 = arith.constant 1 : i32
        %sub3A_708 = arith.subi %div3A_687, %sub3A_707 : i32
        %select_n3A_709 = arith.select %and3A_706, %sub3A_708, %div3A_687 : i32
        %jit3A_710 = arith.constant 8 : i32
        %eq3A_711 = arith.constant 0 : i32
        %eq3A_712 = arith.cmpi eq, %jit3A_710, %eq3A_711 : i32
        %jit3A_713 = arith.constant 1 : i32
        %select_n3A_714 = arith.select %eq3A_712, %jit3A_713, %jit3A_710 : i32
        %rem3A_715 = arith.remsi %add3A_685, %select_n3A_714 : i32
        %ne3A_716 = arith.constant 0 : i32
        %ne3A_717 = arith.cmpi ne, %rem3A_715, %ne3A_716 : i32
        %lt3A_718 = arith.constant 0 : i32
        %lt3A_719 = arith.cmpi slt, %rem3A_715, %lt3A_718 : i32
        %lt3A_720 = arith.constant 0 : i32
        %lt3A_721 = arith.cmpi slt, %select_n3A_714, %lt3A_720 : i32
        %ne3A_722 = arith.xori %lt3A_719, %lt3A_721 : i1
        %and3A_723 = arith.andi %ne3A_722, %ne3A_717 : i1
        %add3A_724 = arith.addi %rem3A_715, %select_n3A_714 : i32
        %select_n3A_725 = arith.select %and3A_723, %add3A_724, %rem3A_715 : i32
        %dma_start3A_726 = arith.constant 1 : i32
        %dma_start3A_727 = arith.constant 0 : i32
        %dma_start3A_728 = tpu.memref_slice %arg6[%select_n3A_709, %dma_start3A_726, %select_n3A_725, %dma_start3A_727] : memref<4x4x8x128xi32, #tpu.memory_space<vmem>> -> memref<1x1x1x128xi32, #tpu.memory_space<vmem>>
        %dma_start3A_729 = tpu.memref_squeeze %dma_start3A_728 : memref<1x1x1x128xi32, #tpu.memory_space<vmem>> -> memref<128xi32, #tpu.memory_space<vmem>>
        %dma_start3A_730 = arith.constant 0 : i32
        %dma_start3A_731 = arith.constant 0 : i32
        %dma_start3A_732 = tpu.memref_slice %arg3[%dma_start3A_730, %dma_start3A_731] : memref<100000x64xf32, #tpu.memory_space<hbm>> -> memref<100000x64xf32, #tpu.memory_space<hbm>>
        tpu.enqueue_indirect_dma source(%dma_start3A_732 : memref<100000x64xf32, #tpu.memory_space<hbm>>) target(%arg8 : memref<128x64xf32, #tpu.memory_space<vmem>>) offsets(%dma_start3A_729 : memref<128xi32, #tpu.memory_space<vmem>>) semaphore(%arg17 : memref<!tpu.dma_semaphore, #tpu.memory_space<semaphore_mem>>)
      } else {
      }
      %jit3A_610 = arith.constant 8 : i32
      %div3A_611 = arith.divsi %scan3A_358, %jit3A_610 : i32
      %sign3A_612 = arith.constant 0 : i32
      %sign3A_613 = arith.cmpi sgt, %scan3A_358, %sign3A_612 : i32
      %sign3A_614 = arith.extui %sign3A_613 : i1 to i32
      %sign3A_615 = arith.constant 0 : i32
      %sign3A_616 = arith.cmpi slt, %scan3A_358, %sign3A_615 : i32
      %sign3A_617 = arith.extui %sign3A_616 : i1 to i32
      %sign3A_618 = arith.subi %sign3A_614, %sign3A_617 : i32
      %sign3A_619 = arith.constant 0 : i32
      %sign3A_620 = arith.cmpi sgt, %jit3A_610, %sign3A_619 : i32
      %sign3A_621 = arith.extui %sign3A_620 : i1 to i32
      %sign3A_622 = arith.constant 0 : i32
      %sign3A_623 = arith.cmpi slt, %jit3A_610, %sign3A_622 : i32
      %sign3A_624 = arith.extui %sign3A_623 : i1 to i32
      %sign3A_625 = arith.subi %sign3A_621, %sign3A_624 : i32
      %ne3A_626 = arith.cmpi ne, %sign3A_618, %sign3A_625 : i32
      %rem3A_627 = arith.remsi %scan3A_358, %jit3A_610 : i32
      %ne3A_628 = arith.constant 0 : i32
      %ne3A_629 = arith.cmpi ne, %rem3A_627, %ne3A_628 : i32
      %and3A_630 = arith.andi %ne3A_626, %ne3A_629 : i1
      %sub3A_631 = arith.constant 1 : i32
      %sub3A_632 = arith.subi %div3A_611, %sub3A_631 : i32
      %select_n3A_633 = arith.select %and3A_630, %sub3A_632, %div3A_611 : i32
      %jit3A_634 = arith.constant 8 : i32
      %eq3A_635 = arith.constant 0 : i32
      %eq3A_636 = arith.cmpi eq, %jit3A_634, %eq3A_635 : i32
      %jit3A_637 = arith.constant 1 : i32
      %select_n3A_638 = arith.select %eq3A_636, %jit3A_637, %jit3A_634 : i32
      %rem3A_639 = arith.remsi %scan3A_358, %select_n3A_638 : i32
      %ne3A_640 = arith.constant 0 : i32
      %ne3A_641 = arith.cmpi ne, %rem3A_639, %ne3A_640 : i32
      %lt3A_642 = arith.constant 0 : i32
      %lt3A_643 = arith.cmpi slt, %rem3A_639, %lt3A_642 : i32
      %lt3A_644 = arith.constant 0 : i32
      %lt3A_645 = arith.cmpi slt, %select_n3A_638, %lt3A_644 : i32
      %ne3A_646 = arith.xori %lt3A_643, %lt3A_645 : i1
      %and3A_647 = arith.andi %ne3A_646, %ne3A_641 : i1
      %add3A_648 = arith.addi %rem3A_639, %select_n3A_638 : i32
      %select_n3A_649 = arith.select %and3A_647, %add3A_648, %rem3A_639 : i32
      %dma_wait3A_650 = arith.constant 3 : i32
      %dma_wait3A_651 = arith.constant 0 : i32
      %dma_wait3A_652 = tpu.memref_slice %arg6[%select_n3A_633, %dma_wait3A_650, %select_n3A_649, %dma_wait3A_651] : memref<4x4x8x128xi32, #tpu.memory_space<vmem>> -> memref<1x1x1x128xi32, #tpu.memory_space<vmem>>
      %dma_wait3A_653 = tpu.memref_squeeze %dma_wait3A_652 : memref<1x1x1x128xi32, #tpu.memory_space<vmem>> -> memref<128xi32, #tpu.memory_space<vmem>>
      %dma_wait3A_654 = arith.constant 0 : i32
      %dma_wait3A_655 = arith.constant 0 : i32
      %dma_wait3A_656 = tpu.memref_slice %arg3[%dma_wait3A_654, %dma_wait3A_655] : memref<100000x64xf32, #tpu.memory_space<hbm>> -> memref<100000x64xf32, #tpu.memory_space<hbm>>
      tpu.wait_indirect_dma semaphore(%arg19 : memref<!tpu.dma_semaphore, #tpu.memory_space<semaphore_mem>>) src(%dma_wait3A_656 : memref<100000x64xf32, #tpu.memory_space<hbm>>) dst(%arg10 : memref<128x64xf32, #tpu.memory_space<vmem>>)
      %add3A_657 = arith.addi %mul3A_2, %scan3A_358 : i32
      %parallel_loop3A_658 = arith.constant 0 : i32
      %parallel_loop3A_659 = arith.constant 128 : i32
      %parallel_loop3A_660 = arith.constant 1 : i32
      scf.for %parallel_loop3A_680 = %parallel_loop3A_658 to %parallel_loop3A_659 step %parallel_loop3A_660  : i32 {
        %parallel_loop3A_681 = vector.broadcast %parallel_loop3A_680 : i32 to vector<16xi32>
        %parallel_loop3A_682 = arith.index_cast %parallel_loop3A_680 : i32 to index
        %parallel_loop3A_683 = arith.constant 0 : index
        %parallel_loop3A_684 = tpu.vector_load %arg10[%parallel_loop3A_682, %parallel_loop3A_683] {strides = array<i32>} : memref<128x64xf32, #tpu.memory_space<vmem>>, vector<16xf32>,
        %parallel_loop3A_685 = arith.constant 384 : i32
        %parallel_loop3A_686 = arith.addi %parallel_loop3A_685, %parallel_loop3A_680 : i32
        %parallel_loop3A_687 = arith.index_cast %parallel_loop3A_686 : i32 to index
        %parallel_loop3A_688 = arith.constant 0 : index
        %parallel_loop3A_689 = tpu.vector_load %arg15[%parallel_loop3A_687, %parallel_loop3A_688] {strides = array<i32>} : memref<512x64xf32, #tpu.memory_space<vmem>>, vector<16xf32>,
        %parallel_loop3A_690 = arith.addf %parallel_loop3A_684, %parallel_loop3A_689 : vector<16xf32>
        tpu.vector_store_idx %arg14[%select_n3A, %select_n3A_153, %parallel_loop3A_681], %parallel_loop3A_690 : memref<8x8x129xf32, #tpu.memory_space<vmem>>[vector<16xi32>, vector<16xi32>, vector<16xi32>], vector<16xf32>,
        %parallel_loop3A_691 = arith.index_cast %parallel_loop3A_680 : i32 to index
        %parallel_loop3A_692 = arith.constant 16 : index
        %parallel_loop3A_693 = tpu.vector_load %arg10[%parallel_loop3A_691, %parallel_loop3A_692] {strides = array<i32>} : memref<128x64xf32, #tpu.memory_space<vmem>>, vector<16xf32>,
        %parallel_loop3A_694 = arith.constant 384 : i32
        %parallel_loop3A_695 = arith.addi %parallel_loop3A_694, %parallel_loop3A_680 : i32
        %parallel_loop3A_696 = arith.index_cast %parallel_loop3A_695 : i32 to index
        %parallel_loop3A_697 = arith.constant 16 : index
        %parallel_loop3A_698 = tpu.vector_load %arg15[%parallel_loop3A_696, %parallel_loop3A_697] {strides = array<i32>} : memref<512x64xf32, #tpu.memory_space<vmem>>, vector<16xf32>,
        %parallel_loop3A_699 = arith.addf %parallel_loop3A_693, %parallel_loop3A_698 : vector<16xf32>
        tpu.vector_store_idx %arg14[%select_n3A_62, %select_n3A_178, %parallel_loop3A_681], %parallel_loop3A_699 : memref<8x8x129xf32, #tpu.memory_space<vmem>>[vector<16xi32>, vector<16xi32>, vector<16xi32>], vector<16xf32>,
        %parallel_loop3A_700 = arith.index_cast %parallel_loop3A_680 : i32 to index
        %parallel_loop3A_701 = arith.constant 32 : index
        %parallel_loop3A_702 = tpu.vector_load %arg10[%parallel_loop3A_700, %parallel_loop3A_701] {strides = array<i32>} : memref<128x64xf32, #tpu.memory_space<vmem>>, vector<16xf32>,
        %parallel_loop3A_703 = arith.constant 384 : i32
        %parallel_loop3A_704 = arith.addi %parallel_loop3A_703, %parallel_loop3A_680 : i32
        %parallel_loop3A_705 = arith.index_cast %parallel_loop3A_704 : i32 to index
        %parallel_loop3A_706 = arith.constant 32 : index
        %parallel_loop3A_707 = tpu.vector_load %arg15[%parallel_loop3A_705, %parallel_loop3A_706] {strides = array<i32>} : memref<512x64xf32, #tpu.memory_space<vmem>>, vector<16xf32>,
        %parallel_loop3A_708 = arith.addf %parallel_loop3A_702, %parallel_loop3A_707 : vector<16xf32>
        tpu.vector_store_idx %arg14[%select_n3A_96, %select_n3A_203, %parallel_loop3A_681], %parallel_loop3A_708 : memref<8x8x129xf32, #tpu.memory_space<vmem>>[vector<16xi32>, vector<16xi32>, vector<16xi32>], vector<16xf32>,
        %parallel_loop3A_709 = arith.index_cast %parallel_loop3A_680 : i32 to index
        %parallel_loop3A_710 = arith.constant 48 : index
        %parallel_loop3A_711 = tpu.vector_load %arg10[%parallel_loop3A_709, %parallel_loop3A_710] {strides = array<i32>} : memref<128x64xf32, #tpu.memory_space<vmem>>, vector<16xf32>,
        %parallel_loop3A_712 = arith.constant 384 : i32
        %parallel_loop3A_713 = arith.addi %parallel_loop3A_712, %parallel_loop3A_680 : i32
        %parallel_loop3A_714 = arith.index_cast %parallel_loop3A_713 : i32 to index
        %parallel_loop3A_715 = arith.constant 48 : index
        %parallel_loop3A_716 = tpu.vector_load %arg15[%parallel_loop3A_714, %parallel_loop3A_715] {strides = array<i32>} : memref<512x64xf32, #tpu.memory_space<vmem>>, vector<16xf32>,
        %parallel_loop3A_717 = arith.addf %parallel_loop3A_711, %parallel_loop3A_716 : vector<16xf32>
        tpu.vector_store_idx %arg14[%select_n3A_130, %select_n3A_228, %parallel_loop3A_681], %parallel_loop3A_717 : memref<8x8x129xf32, #tpu.memory_space<vmem>>[vector<16xi32>, vector<16xi32>, vector<16xi32>], vector<16xf32>,
      } {sc.loop_unroll_factor = 4 : i64, sc.parallel_access}
      %dma_start3A_661 = arith.constant 3 : i32
      %dma_start3A_662 = arith.constant 0 : i32
      %dma_start3A_663 = arith.constant 0 : i32
      %dma_start3A_664 = arith.constant 0 : i32
      %dma_start3A_665 = tpu.memref_slice %arg14[%dma_start3A_662, %dma_start3A_663, %dma_start3A_664] : memref<8x8x129xf32, #tpu.memory_space<vmem>> -> memref<8x8x128xf32, #tpu.memory_space<vmem>>
      %dma_start3A_666 = arith.constant 0 : i32
      %dma_start3A_667 = arith.constant 0 : i32
      %dma_start3A_668 = arith.constant 0 : i32
      %dma_start3A_669 = tpu.memref_slice %arg5[%add3A_657, %dma_start3A_666, %dma_start3A_661, %dma_start3A_667, %dma_start3A_668] : memref<1024x8x4x8x128xf32, #tpu.memory_space<hbm>> -> memref<1x8x1x8x128xf32, #tpu.memory_space<hbm>>
      %dma_start3A_670 = tpu.memref_squeeze %dma_start3A_669 : memref<1x8x1x8x128xf32, #tpu.memory_space<hbm>> -> memref<8x8x128xf32, #tpu.memory_space<hbm>>
      %dma_start3A_671 = arith.constant 0 : i32
      %dma_start3A_672 = arith.constant 0 : i32
      %dma_start3A_673 = arith.constant 0 : i32
      %dma_start3A_674 = tpu.memref_slice %arg5[%add3A_657, %dma_start3A_671, %dma_start3A_661, %dma_start3A_672, %dma_start3A_673] : memref<1024x8x4x8x128xf32, #tpu.memory_space<hbm>> -> memref<1x8x1x8x128xf32, #tpu.memory_space<hbm>>
      %dma_start3A_675 = tpu.memref_squeeze %dma_start3A_674 : memref<1x8x1x8x128xf32, #tpu.memory_space<hbm>> -> memref<8x8x128xf32, #tpu.memory_space<hbm>>
      %dma_start3A_676 = arith.constant 0 : i32
      %dma_start3A_677 = arith.constant 0 : i32
      %dma_start3A_678 = arith.constant 0 : i32
      %dma_start3A_679 = tpu.memref_slice %arg14[%dma_start3A_676, %dma_start3A_677, %dma_start3A_678] : memref<8x8x129xf32, #tpu.memory_space<vmem>> -> memref<8x8x128xf32, #tpu.memory_space<vmem>>
      tpu.enqueue_dma source(%dma_start3A_679 : memref<8x8x128xf32, #tpu.memory_space<vmem>>) target(%dma_start3A_675 : memref<8x8x128xf32, #tpu.memory_space<hbm>>) target_semaphore(%arg23 : memref<!tpu.dma_semaphore, #tpu.memory_space<semaphore_mem>>)
    }
    %scan3A_274 = arith.constant 32 : i32
    %add3A_275 = arith.constant 31 : i32
    %add3A_276 = arith.addi %mul3A_2, %add3A_275 : i32
    %dma_wait3A = arith.constant 0 : i32
    %dma_wait3A_277 = arith.constant 0 : i32
    %dma_wait3A_278 = arith.constant 0 : i32
    %dma_wait3A_279 = arith.constant 0 : i32
    %dma_wait3A_280 = tpu.memref_slice %arg11[%dma_wait3A_277, %dma_wait3A_278, %dma_wait3A_279] : memref<8x8x129xf32, #tpu.memory_space<vmem>> -> memref<8x8x128xf32, #tpu.memory_space<vmem>>
    %dma_wait3A_281 = arith.constant 0 : i32
    %dma_wait3A_282 = arith.constant 0 : i32
    %dma_wait3A_283 = arith.constant 0 : i32
    %dma_wait3A_284 = tpu.memref_slice %arg5[%add3A_276, %dma_wait3A_281, %dma_wait3A, %dma_wait3A_282, %dma_wait3A_283] : memref<1024x8x4x8x128xf32, #tpu.memory_space<hbm>> -> memref<1x8x1x8x128xf32, #tpu.memory_space<hbm>>
    %dma_wait3A_285 = tpu.memref_squeeze %dma_wait3A_284 : memref<1x8x1x8x128xf32, #tpu.memory_space<hbm>> -> memref<8x8x128xf32, #tpu.memory_space<hbm>>
    %dma_wait3A_286 = arith.constant 0 : i32
    %dma_wait3A_287 = arith.constant 0 : i32
    %dma_wait3A_288 = arith.constant 0 : i32
    %dma_wait3A_289 = tpu.memref_slice %arg5[%add3A_276, %dma_wait3A_286, %dma_wait3A, %dma_wait3A_287, %dma_wait3A_288] : memref<1024x8x4x8x128xf32, #tpu.memory_space<hbm>> -> memref<1x8x1x8x128xf32, #tpu.memory_space<hbm>>
    %dma_wait3A_290 = tpu.memref_squeeze %dma_wait3A_289 : memref<1x8x1x8x128xf32, #tpu.memory_space<hbm>> -> memref<8x8x128xf32, #tpu.memory_space<hbm>>
    %dma_wait3A_291 = arith.constant 0 : i32
    %dma_wait3A_292 = arith.constant 0 : i32
    %dma_wait3A_293 = arith.constant 0 : i32
    %dma_wait3A_294 = tpu.memref_slice %arg11[%dma_wait3A_291, %dma_wait3A_292, %dma_wait3A_293] : memref<8x8x129xf32, #tpu.memory_space<vmem>> -> memref<8x8x128xf32, #tpu.memory_space<vmem>>
    tpu.wait_dma2 semaphore(%arg20 : memref<!tpu.dma_semaphore, #tpu.memory_space<semaphore_mem>>) src(%dma_wait3A_294 : memref<8x8x128xf32, #tpu.memory_space<vmem>>) dst(%dma_wait3A_290 : memref<8x8x128xf32, #tpu.memory_space<hbm>>)
    %add3A_295 = arith.constant 31 : i32
    %add3A_296 = arith.addi %mul3A_2, %add3A_295 : i32
    %dma_wait3A_297 = arith.constant 1 : i32
    %dma_wait3A_298 = arith.constant 0 : i32
    %dma_wait3A_299 = arith.constant 0 : i32
    %dma_wait3A_300 = arith.constant 0 : i32
    %dma_wait3A_301 = tpu.memref_slice %arg12[%dma_wait3A_298, %dma_wait3A_299, %dma_wait3A_300] : memref<8x8x129xf32, #tpu.memory_space<vmem>> -> memref<8x8x128xf32, #tpu.memory_space<vmem>>
    %dma_wait3A_302 = arith.constant 0 : i32
    %dma_wait3A_303 = arith.constant 0 : i32
    %dma_wait3A_304 = arith.constant 0 : i32
    %dma_wait3A_305 = tpu.memref_slice %arg5[%add3A_296, %dma_wait3A_302, %dma_wait3A_297, %dma_wait3A_303, %dma_wait3A_304] : memref<1024x8x4x8x128xf32, #tpu.memory_space<hbm>> -> memref<1x8x1x8x128xf32, #tpu.memory_space<hbm>>
    %dma_wait3A_306 = tpu.memref_squeeze %dma_wait3A_305 : memref<1x8x1x8x128xf32, #tpu.memory_space<hbm>> -> memref<8x8x128xf32, #tpu.memory_space<hbm>>
    %dma_wait3A_307 = arith.constant 0 : i32
    %dma_wait3A_308 = arith.constant 0 : i32
    %dma_wait3A_309 = arith.constant 0 : i32
    %dma_wait3A_310 = tpu.memref_slice %arg5[%add3A_296, %dma_wait3A_307, %dma_wait3A_297, %dma_wait3A_308, %dma_wait3A_309] : memref<1024x8x4x8x128xf32, #tpu.memory_space<hbm>> -> memref<1x8x1x8x128xf32, #tpu.memory_space<hbm>>
    %dma_wait3A_311 = tpu.memref_squeeze %dma_wait3A_310 : memref<1x8x1x8x128xf32, #tpu.memory_space<hbm>> -> memref<8x8x128xf32, #tpu.memory_space<hbm>>
    %dma_wait3A_312 = arith.constant 0 : i32
    %dma_wait3A_313 = arith.constant 0 : i32
    %dma_wait3A_314 = arith.constant 0 : i32
    %dma_wait3A_315 = tpu.memref_slice %arg12[%dma_wait3A_312, %dma_wait3A_313, %dma_wait3A_314] : memref<8x8x129xf32, #tpu.memory_space<vmem>> -> memref<8x8x128xf32, #tpu.memory_space<vmem>>
    tpu.wait_dma2 semaphore(%arg21 : memref<!tpu.dma_semaphore, #tpu.memory_space<semaphore_mem>>) src(%dma_wait3A_315 : memref<8x8x128xf32, #tpu.memory_space<vmem>>) dst(%dma_wait3A_311 : memref<8x8x128xf32, #tpu.memory_space<hbm>>)
    %add3A_316 = arith.constant 31 : i32
    %add3A_317 = arith.addi %mul3A_2, %add3A_316 : i32
    %dma_wait3A_318 = arith.constant 2 : i32
    %dma_wait3A_319 = arith.constant 0 : i32
    %dma_wait3A_320 = arith.constant 0 : i32
    %dma_wait3A_321 = arith.constant 0 : i32
    %dma_wait3A_322 = tpu.memref_slice %arg13[%dma_wait3A_319, %dma_wait3A_320, %dma_wait3A_321] : memref<8x8x129xf32, #tpu.memory_space<vmem>> -> memref<8x8x128xf32, #tpu.memory_space<vmem>>
    %dma_wait3A_323 = arith.constant 0 : i32
    %dma_wait3A_324 = arith.constant 0 : i32
    %dma_wait3A_325 = arith.constant 0 : i32
    %dma_wait3A_326 = tpu.memref_slice %arg5[%add3A_317, %dma_wait3A_323, %dma_wait3A_318, %dma_wait3A_324, %dma_wait3A_325] : memref<1024x8x4x8x128xf32, #tpu.memory_space<hbm>> -> memref<1x8x1x8x128xf32, #tpu.memory_space<hbm>>
    %dma_wait3A_327 = tpu.memref_squeeze %dma_wait3A_326 : memref<1x8x1x8x128xf32, #tpu.memory_space<hbm>> -> memref<8x8x128xf32, #tpu.memory_space<hbm>>
    %dma_wait3A_328 = arith.constant 0 : i32
    %dma_wait3A_329 = arith.constant 0 : i32
    %dma_wait3A_330 = arith.constant 0 : i32
    %dma_wait3A_331 = tpu.memref_slice %arg5[%add3A_317, %dma_wait3A_328, %dma_wait3A_318, %dma_wait3A_329, %dma_wait3A_330] : memref<1024x8x4x8x128xf32, #tpu.memory_space<hbm>> -> memref<1x8x1x8x128xf32, #tpu.memory_space<hbm>>
    %dma_wait3A_332 = tpu.memref_squeeze %dma_wait3A_331 : memref<1x8x1x8x128xf32, #tpu.memory_space<hbm>> -> memref<8x8x128xf32, #tpu.memory_space<hbm>>
    %dma_wait3A_333 = arith.constant 0 : i32
    %dma_wait3A_334 = arith.constant 0 : i32
    %dma_wait3A_335 = arith.constant 0 : i32
    %dma_wait3A_336 = tpu.memref_slice %arg13[%dma_wait3A_333, %dma_wait3A_334, %dma_wait3A_335] : memref<8x8x129xf32, #tpu.memory_space<vmem>> -> memref<8x8x128xf32, #tpu.memory_space<vmem>>
    tpu.wait_dma2 semaphore(%arg22 : memref<!tpu.dma_semaphore, #tpu.memory_space<semaphore_mem>>) src(%dma_wait3A_336 : memref<8x8x128xf32, #tpu.memory_space<vmem>>) dst(%dma_wait3A_332 : memref<8x8x128xf32, #tpu.memory_space<hbm>>)
    %add3A_337 = arith.constant 31 : i32
    %add3A_338 = arith.addi %mul3A_2, %add3A_337 : i32
    %dma_wait3A_339 = arith.constant 3 : i32
    %dma_wait3A_340 = arith.constant 0 : i32
    %dma_wait3A_341 = arith.constant 0 : i32
    %dma_wait3A_342 = arith.constant 0 : i32
    %dma_wait3A_343 = tpu.memref_slice %arg14[%dma_wait3A_340, %dma_wait3A_341, %dma_wait3A_342] : memref<8x8x129xf32, #tpu.memory_space<vmem>> -> memref<8x8x128xf32, #tpu.memory_space<vmem>>
    %dma_wait3A_344 = arith.constant 0 : i32
    %dma_wait3A_345 = arith.constant 0 : i32
    %dma_wait3A_346 = arith.constant 0 : i32
    %dma_wait3A_347 = tpu.memref_slice %arg5[%add3A_338, %dma_wait3A_344, %dma_wait3A_339, %dma_wait3A_345, %dma_wait3A_346] : memref<1024x8x4x8x128xf32, #tpu.memory_space<hbm>> -> memref<1x8x1x8x128xf32, #tpu.memory_space<hbm>>
    %dma_wait3A_348 = tpu.memref_squeeze %dma_wait3A_347 : memref<1x8x1x8x128xf32, #tpu.memory_space<hbm>> -> memref<8x8x128xf32, #tpu.memory_space<hbm>>
    %dma_wait3A_349 = arith.constant 0 : i32
    %dma_wait3A_350 = arith.constant 0 : i32
    %dma_wait3A_351 = arith.constant 0 : i32
    %dma_wait3A_352 = tpu.memref_slice %arg5[%add3A_338, %dma_wait3A_349, %dma_wait3A_339, %dma_wait3A_350, %dma_wait3A_351] : memref<1024x8x4x8x128xf32, #tpu.memory_space<hbm>> -> memref<1x8x1x8x128xf32, #tpu.memory_space<hbm>>
    %dma_wait3A_353 = tpu.memref_squeeze %dma_wait3A_352 : memref<1x8x1x8x128xf32, #tpu.memory_space<hbm>> -> memref<8x8x128xf32, #tpu.memory_space<hbm>>
    %dma_wait3A_354 = arith.constant 0 : i32
    %dma_wait3A_355 = arith.constant 0 : i32
    %dma_wait3A_356 = arith.constant 0 : i32
    %dma_wait3A_357 = tpu.memref_slice %arg14[%dma_wait3A_354, %dma_wait3A_355, %dma_wait3A_356] : memref<8x8x129xf32, #tpu.memory_space<vmem>> -> memref<8x8x128xf32, #tpu.memory_space<vmem>>
    tpu.wait_dma2 semaphore(%arg23 : memref<!tpu.dma_semaphore, #tpu.memory_space<semaphore_mem>>) src(%dma_wait3A_357 : memref<8x8x128xf32, #tpu.memory_space<vmem>>) dst(%dma_wait3A_353 : memref<8x8x128xf32, #tpu.memory_space<hbm>>)
    return
  }
}

</mosaic_0001>

<sc_bundles>
// kernel: kernel.3.cloned.1.call-start
scs
__scs_entry_jumppad:
0x0: {  	(pc) =	sbr.rel $0x88, $3  }
0x1: {  	(tag) =	ssettag $0x0;
	lr =	simm.s32 $0x1  }
0x2: {  	[smem:$0x3F9E] =	sst lr;
	_ =	strace $0xD0000000  }
0x3: {  	_ = 	snop  }
0x4: {  	_ = 	snop  }
0x5: {  	_ = 	snop  }
0x6: {  	_ = 	snop  }
0x7: {  	_ = 	snop  }
__scs_overlays_trampoline_lowered:
0x8: {  	[smem:$0x3FAD] =	sst s0  }
0x9: {  	[smem:$0x3FAE] =	sst s1  }
0xa: {  	[smem:$0x3FAF] =	sst s2  }
0xb: {  	[smem:$0x3FB0] =	sst s3  }
0xc: {  	[smem:$0x3FB1] =	sst s4  }
0xd: {  	[smem:$0x3FB2] =	sst s5  }
0xe: {  	[smem:$0x3FB3] =	sst s6  }
0xf: {  	[smem:$0x3FB4] =	sst s7  }
0x10: {  	[smem:$0x3FB5] =	sst s8  }
0x11: {  	[smem:$0x3FB6] =	sst s9;
	s0 =	simm.s32 @!p0 $0x0  }
0x12: {  	s1 =	sld [smem:$0x3F9C];
	s0 =	simm.s32 @p0 $0x1  }
0x13: {  	[smem:$0x3FB7] =	sst s0;
	s0 =	simm.s32 @!p1 $0x0  }
0x14: {  	s2 =	sld [smem:$0x3F9B];
	s0 =	simm.s32 @p1 $0x1  }
0x15: {  	[smem:$0x3FB8] =	sst s0;
	s0 =	simm.s32 @!p2 $0x0  }
0x16: {  	s3 =	sld [smem:$0x3FDB];
	s0 =	simm.s32 @p2 $0x1  }
0x17: {  	s4 =	simm.s32 $0x1BF5;
	[smem:$0x3FBA] =	sst s0  }
0x18: {  	s0 =	sld [smem:$0x3F9D];
	_ =	swait.ge [sflag:s4], $0x0  }
0x19: {  	s7 =	sld [smem:$0x3F9E]  }
0x1a: {  	s8 =	sadd.s32 $0xFFFFE003, lr  }
0x1b: {  	s9 =	sadd.s32 $0xFFFFFEF7, lr;
	s5 =	simm.s32 $0xFFFFFFFF;
	p2 =	slt.u32 s8, $0xFFFFF086  }
0x1c: {  	p1 =	slt.u32 s9, $0xF7A;
	s5 =	simm.s32 @!p2 $0x0  }
0x1d: {  	s5 =	simm.s32 @p1 $0x1;
	p0 =	seq.s32 s7, s2  }
0x1e: {  	s7 =	smul.u32 @!p0 $0xF7A, s2;
	p2 =	seq.s32 @!p0 s5, $0x0  }
0x1f: {  	s9 =	smul.u32 $0xF7A, s1;
	s8 =	simm.s32 @!p0 $0x1BF5;
	p2 =	por !p2, p0  }
0x20: {  	[sflag:s8] =	ssyncset.s32 @!p0 $0xFFFFF086;
	s6 =	sadd.s32 @!p0 s3, s7;
	s7 =	simm.s32 @!p0 $0x108  }
0x21: {  	s3 =	sadd.s32 s3, s9;
	s6 =	sadd.s32 @!p0 $0x88, s6;
	s7 =	simm.s32 @p2 $0x1082  }
0x22: {  	[simem:s7], [sflag:s8] =	dma.local @!p0 [hbm:s6], $0xF7A  }
0x23: {  	s9 =	sor.u32 $0xD0000000, s2;
	s6 =	simm.s32 $0x108;
	_ =	swait.ge @!p0 [sflag:s8], $0x0  }
0x24: {  	s3 =	sadd.s32 $0x88, s3;
	s6 =	simm.s32 @!p1 $0x1082;
	[sflag:s4] =	ssyncset.s32 $0xFFFFF086  }
0x25: {  	[simem:s6], [sflag:s4] =	dma.local [hbm:s3], $0xF7A  }
0x26: {  	[smem:$0x3F9E] =	sst s1;
	(tag) =	ssettag s2;
	_ =	strace s9  }
0x27: {  	s1 =	sld [smem:$0x3FAE]  }
0x28: {  	s2 =	sld [smem:$0x3FAF]  }
0x29: {  	s4 =	sld [smem:$0x3FB1]  }
0x2a: {  	p0 =	seq.s32 s5, $0x0;
	s5 =	sld [smem:$0x3FB2]  }
0x2b: {  	s6 =	sld [smem:$0x3FB3]  }
0x2c: {  	s7 =	sld [smem:$0x3FB4]  }
0x2d: {  	s3 =	simm.s32 $0x108;
	s8 =	sld [smem:$0x3FB5]  }
0x2e: {  	s3 =	simm.s32 @!p0 $0x1082;
	s9 =	sld [smem:$0x3FB6]  }
0x2f: {  	lr =	sadd.s32 s0, s3;
	s0 =	sld [smem:$0x3FAD]  }
0x30: {  	s3 =	sld [smem:$0x3FB0]  }
0x31: {  	[smem:$0x3FB9] =	sst s10  }
0x32: {  	s10 =	sld [smem:$0x3FB7];
	_ =	sdelay $0x3  }
0x33: {  	p0 =	seq.s32 s10, $0x1;
	s10 =	sld [smem:$0x3FB9];
	_ =	sdelay $0x3  }
0x34: {  	[smem:$0x3FB9] =	sst s10  }
0x35: {  	s10 =	sld [smem:$0x3FB8];
	_ =	sdelay $0x3  }
0x36: {  	p1 =	seq.s32 s10, $0x1;
	s10 =	sld [smem:$0x3FB9];
	_ =	sdelay $0x3  }
0x37: {  	[smem:$0x3FB9] =	sst s10  }
0x38: {  	s10 =	sld [smem:$0x3FBA]  }
0x39: {  	_ = 	snop;
	(pc) =	sbr.ind lr, $3  }
0x3a: {  	_ = 	snop  }
0x3b: {  	_ = 	snop  }
0x3c: {  	p2 =	seq.s32 s10, $0x1;
	s10 =	sld [smem:$0x3FB9]  }
0x3d: {  	_ =	shalt  }
0x3e: {  	_ =	shalt  }
0x3f: {  	_ =	shalt  }
0x40: {  	_ =	shalt  }
0x41: {  	_ =	shalt  }
0x42: {  	_ =	shalt  }
0x43: {  	_ =	shalt  }
0x44: {  	_ =	shalt  }
0x45: {  	_ =	shalt  }
0x46: {  	_ =	shalt  }
0x47: {  	_ =	shalt  }
0x48: {  	_ =	shalt  }
0x49: {  	_ =	shalt  }
0x4a: {  	_ =	shalt  }
0x4b: {  	_ =	shalt  }
0x4c: {  	_ =	shalt  }
0x4d: {  	_ =	shalt  }
0x4e: {  	_ =	shalt  }
0x4f: {  	_ =	shalt  }
0x50: {  	_ =	shalt  }
0x51: {  	_ =	shalt  }
0x52: {  	_ =	shalt  }
0x53: {  	_ =	shalt  }
0x54: {  	_ =	shalt  }
0x55: {  	_ =	shalt  }
0x56: {  	_ =	shalt  }
0x57: {  	_ =	shalt  }
0x58: {  	_ =	shalt  }
0x59: {  	_ =	shalt  }
0x5a: {  	_ =	shalt  }
0x5b: {  	_ =	shalt  }
0x5c: {  	_ =	shalt  }
0x5d: {  	_ =	shalt  }
0x5e: {  	_ =	shalt  }
0x5f: {  	_ =	shalt  }
0x60: {  	_ =	shalt  }
0x61: {  	_ =	shalt  }
0x62: {  	_ =	shalt  }
0x63: {  	_ =	shalt  }
0x64: {  	_ =	shalt  }
0x65: {  	_ =	shalt  }
0x66: {  	_ =	shalt  }
0x67: {  	_ =	shalt  }
0x68: {  	_ =	shalt  }
0x69: {  	_ =	shalt  }
0x6a: {  	_ =	shalt  }
0x6b: {  	_ =	shalt  }
0x6c: {  	_ =	shalt  }
0x6d: {  	_ =	shalt  }
0x6e: {  	_ =	shalt  }
0x6f: {  	_ =	shalt  }
0x70: {  	_ =	shalt  }
0x71: {  	_ =	shalt  }
0x72: {  	_ =	shalt  }
0x73: {  	_ =	shalt  }
0x74: {  	_ =	shalt  }
0x75: {  	_ =	shalt  }
0x76: {  	_ =	shalt  }
0x77: {  	_ =	shalt  }
0x78: {  	_ =	shalt  }
0x79: {  	_ =	shalt  }
0x7a: {  	_ =	shalt  }
0x7b: {  	_ =	shalt  }
0x7c: {  	_ =	shalt  }
0x7d: {  	_ =	shalt  }
0x7e: {  	_ =	shalt  }
0x7f: {  	_ =	shalt  }
0x80: {  	_ =	shalt  }
0x81: {  	_ =	shalt  }
0x82: {  	_ =	shalt  }
0x83: {  	_ =	shalt  }
0x84: {  	_ =	shalt  }
0x85: {  	_ =	shalt  }
0x86: {  	_ =	shalt  }
0x87: {  	_ =	shalt  }
.Lfunc_end0:
.L_simem_size_0:
called_computation_lowered:
.L_overlay_start_0:
0x88: {  	s2 =	sld [smem:$0x3FD9]  }
0x89: {  	s3 =	sld [smem:$0x3FFE];
	_ =	sdelay $0x1  }
0x8a: {  	s1 =	srdreg.scid  }
0x8b: {  	s0 =	sand.u32 $0x1, s1  }
0x8c: {  	s17 =	sshll.u32 s0, $0xA;
	s2 =	sadd.s32 s3, s2  }
0x8d: {  	s2 =	sadd.s32 s2, s17  }
0x8e: {  	[smem:$0x3FC5] =	sst s2  }
0x8f: {  	_ = 	snop  }
0x90: {  	s2 =	sld [smem:$0x3FC9]  }
0x91: {  	s18 =	sld [smem:$0x3FD0];
	(tm) =	ssettm $0x1  }
0x92: {  	s4 =	sld [smem:$0x3FFB];
	_ =	sdelay $0x3  }
0x93: {  	_ =	strace s4  }
0x94: {  	s4 =	sld [smem:$0x3FFC];
	_ =	sdelay $0x3  }
0x95: {  	_ =	strace s4  }
0x96: {  	s4 =	sld [smem:$0x3FFD];
	_ =	sdelay $0x3  }
0x97: {  	_ =	strace s4  }
0x98: {  	_ =	strace $0x8FFFFFFF  }
0x99: {  	s19 =	sld [smem:$0x3FDB];
	_ =	sdelay $0x1  }
0x9a: {  	s5 =	simm.s32 $_scs_section_size  }
0x9b: {  	s6 =	simm.s32 $_size__tile_overlayer_lowered;
	s7 =	simm.s32 $_tile_overlayer_lowered  }
0x9c: {  	s22 =	simm.s32 $0x1BFF;
	s21 =	sshll.u32 s7, $0x1;
	s4 =	sadd.s32 s5, s19  }
0x9d: {  	s8 =	simm.s32 $0x0;
	s20 =	sshll.u32 s6, $0x1;
	s6 =	sadd.s32 s21, s4  }
0x9e: {  	[timem:s8], [sflag:s22] =	dma.local [hbm:s6], s20  }
0x9f: {  	_ =	swait.ge [sflag:s22], s20  }
0xa0: {  	s5 =	ssub.s32 $0x0, s20;
	[sflag:s22] =	ssyncset.done $0x0  }
0xa1: {  	[sflag:s22] =	ssyncadd.s32 s5;
	_ =	sdelay $0x1  }
0xa2: {  	s23 =	simm.s32 $0x1B8B  }
0xa3: {  	_ =	swait.ge [sflag:s23], $0x1  }
0xa4: {  	[sflag:s23] =	ssyncset.done $0x0  }
0xa5: {  	s25 =	simm.s32 $0x1B8E;
	s24 =	sld [smem:$0x3FFE];
	[sflag:s23] =	ssyncadd.s32 $0xFFFFFFFF  }
0xa6: {  	s26 =	simm.s32 $execute0_lowered;
	[smem:$0x3FD2] =	sst s25  }
0xa7: {  	s6 =	sshll.u32 s26, $0x1;
	_ =	strace $0x80000046;
	[dreg:$0x1] =	wrdreg $0xFFFFFFFF  }
0xa8: {  	s28 =	simm.s32 $_size_execute0_lowered;
	s4 =	sadd.s32 s4, s6;
	[dreg:$0x0] =	wrdreg $0x0  }
0xa9: {  	s6 =	sshll.u32 s28, $0x1;
	[dreg:$0x2] =	wrdreg s4  }
0xaa: {  	[dreg:$0x3] =	wrdreg s6  }
0xab: {  	[dreg:$0x4] =	wrdreg $0xC0  }
0xac: {  	_ =	task [dreg:s8], $0x5FFFF  }
0xad: {  	[dreg:$0x1] =	wrdreg $0xFFFFFFFF  }
0xae: {  	[dreg:$0x0] =	wrdreg $0x60  }
0xaf: {  	[dreg:$0x2] =	wrdreg s2  }
0xb0: {  	[dreg:$0x3] =	wrdreg s24  }
0xb1: {  	[dreg:$0x4] =	wrdreg s18  }
0xb2: {  	[dreg:$0x5] =	wrdreg $0x9  }
0xb3: {  	_ =	task.clear_ibuf [dreg:s8], $0x6FFFF;
	_ =	strace $0x90000046  }
0xb4: {  	s29 =	simm.s32 $0x9;
	_ =	strace $0x80000048  }
0xb5: {  	_ =	swait.ge [sflag:s29], $0x1  }
0xb6: {  	[sflag:s29] =	ssyncadd.s32 $0xFFFFFFFF  }
0xb7: {  	_ =	strace $0x90000048  }
0xb8: {  	_ =	sfence  }
0xb9: {  	s30 =	sld [smem:$0x0];
	_ =	sdelay $0x2  }
0xba: {  	s31 =	sshll.u32 s1, $0xD;
	s1 =	sshrl.u32 s1, $0x2  }
0xbb: {  	s3 =	sand.u32 $0x4000, s31;
	s1 =	sadd.s32 s1, s30  }
0xbc: {  	s0 =	sor.u32 s3, s0;
	s1 =	sshll.u32 s1, $0x11  }
0xbd: {  	s0 =	sor.u32 s1, s0  }
0xbe: {  	s0 =	sadd.s32 $0x8F2B, s0  }
0xbf: {  	[sflag:s0] =	ssyncadd.remote.s32 $0x1  }
0xc0: {  	_ =	sfence.sel $0xFFFF  }
0xc1: {  	[dreg:$0x0] =	wrdreg $0xFFFFFFFF;
	(pc) =	sbr.abs _section_cstart, $3  }
0xc2: {  	[dreg:$0x1] =	wrdreg $0xFFFFFFFF  }
0xc3: {  	_ =	task.clear_ibuf [dreg:s8], $0x2FFFF;
	_ =	strace $0x9FFFFFFF  }
0xc4: {  	(tm) =	ssettm $0x7FFFFFFF  }
0xc5: {  	_ =	shalt  }
tec
execute0_lowered:
.L_overlay_start_1:
0x0: {  	(tag) =	ssettag $0x1  }
0x1: {  	s0 =	rddreg [dreg:$0x0]  }
0x2: {  	s2 =	rddreg [dreg:$0x1]  }
0x3: {  	s1 =	rddreg [dreg:$0x2];
	s3 =	simm.s32 $0x0;
	s4 =	srdreg.scid  }
0x4: {  	s6 =	stileid.u32;
	s13 =	simm.s32 $0x9;
	s14 =	simm.s32 $0x80  }
0x5: {  	s18 =	simm.s32 $0x8000;
	s19 =	simm.s32 $0x1;
	s20 =	simm.s32 $0xC000  }
0x6: {  	s21 =	simm.s32 $0xA000;
	s22 =	simm.s32 $0x2;
	s23 =	simm.s32 $0xE200  }
0x7: {  	s24 =	simm.s32 $0x3;
	s25 =	simm.s32 $0x10400;
	s26 =	simm.s32 $0x4  }
0x8: {  	s28 =	simm.s32 $0x12600;
	s31 =	simm.s32 $0x7;
	[smem:$0x7FF] =	sst s3  }
0x9: {  	s5 =	sand.u32 $0x1, s4;
	s6 =	sshll.u32 s6, $0x6;
	s4 =	sadd.s32 $0x1400, s2  }
0xa: {  	s2 =	sadd.s32 $0x400, s2;
	s9 =	sadd.s32 $0x100, s1;
	s7 =	sshll.u32 s5, $0x5  }
0xb: {  	s10 =	sadd.s32 $0x180, s1;
	s8 =	ssub.s32 $0x2, s5;
	s5 =	sor.u32 s7, s6  }
0xc: {  	v0 =	vlaneseq.u32;
	_ =	strace $0x80000047;
	s29 =	sshrl.u32 s8, $0x1;
	s6 =	sshll.u32 s5, $0x6  }
0xd: {  	v0 =	vmul.u32 $0x88, v0;
	[dreg:$0x4] =	wrdreg s2;
	s2 =	ssub.s32 s8, s29;
	s0 =	sadd.s32 s0, s6  }
0xe: {  	s8 =	sadd.s32 $0x80, s1;
	s30 =	smax.u32 s2, $0x1;
	[dreg:$0x5] =	wrdreg s0  }
0xf: {  	v1 =	vadd.s32 $0x880, v0;
	v2 =	vadd.s32 $0x1100, v0;
	v3 =	vadd.s32 $0x1980, v0;
	s2 =	simm.s32 $0x0;
	[dreg:$0x6] =	wrdreg s30;
	s0 =	simm.s32 $0x8  }
.LBB2_1:
0x10: {  	s6 =	rddreg [dreg:$0x4];
	s7 =	simm.s32 $0x14800  }
0x11: {  	[tilespmem:s7], [sflag:$0x9] =	stream.linear.gather [hbm4b:s6+s3], $0x8000, $0x38;
	[tilespmem:$0x1C800] =	vst v63  }
0x12: {  	_ =	swait.ge [sflag:s13], $0x8000  }
0x13: {  	[sflag:s13] =	ssyncset.done $0x0  }
0x14: {  	s16 =	rddreg [dreg:$0x5];
	[sflag:s13] =	ssyncadd.s32 $0xFFFF8000  }
0x15: {  	[tilespmem:s3], [sflag:$0x9] =	stream.linear.gather [hbm4b:s16+s3], $0x4000, $0x38;
	[tilespmem:$0x1C800] =	vst v63  }
0x16: {  	_ =	swait.ge [sflag:s13], $0x4000  }
0x17: {  	[sflag:s13] =	ssyncset.done $0x0  }
0x18: {  	s17 =	simm.s32 $0x4000;
	[sflag:s13] =	ssyncadd.s32 $0xFFFFC000  }
0x19: {  	[tilespmem:s17], [sflag:$0x1] =	stream.indirect.gather [hbm4b:s4+s14], $0x40, s3, s14, $0xb8;
	[tilespmem:$0x1C800] =	vst v63  }
0x1a: {  	s29 =	simm.s32 $0x400;
	s30 =	simm.s32 $0x6000;
	s12 =	simm.s32 $0x0  }
0x1b: {  	[tilespmem:s30], [sflag:$0x2] =	stream.indirect.gather [hbm4b:s4+s14], $0x40, s29, s14, $0xb8;
	[tilespmem:$0x1C800] =	vst v63  }
.LBB2_2:
0x1c: {  	p0 =	seq.s32 s12, $0x0  }
0x1d: {  	s7 =	sshll.u32 s12, $0x7;
	s11 =	sshll.u32 s12, $0x9;
	s6 =	simm.s32 @!p0 $0x7  }
0x1e: {  	s7 =	sand.u32 $0x380, s7;
	s11 =	sand.u32 $0x3000, s11;
	_ =	swait.ge @!p0 [sflag:s6], $0x2000  }
0x1f: {  	s16 =	sor.u32 s7, s11;
	[sflag:s6] =	ssyncset.done @!p0 $0x0  }
0x20: {  	s7 =	sor.u32 $0x800, s16;
	[sflag:s6] =	ssyncadd.s32 @!p0 $0xFFFFE000  }
0x21: {  	[tilespmem:s18], [sflag:$0x3] =	stream.indirect.gather [hbm4b:s4+s14], $0x40, s7, s14, $0xb8;
	[tilespmem:$0x1C800] =	vst v63  }
0x22: {  	_ =	swait.ge [sflag:s19], $0x2000  }
0x23: {  	[sflag:s19] =	ssyncset.done $0x0  }
0x24: {  	s17 =	simm.s32 $0x4080;
	[sflag:s19] =	ssyncadd.s32 $0xFFFFE000  }
0x25: {  	s15 =	simm.s32 $0x14880;
	s11 =	simm.s32 $0x3;
	v5 =	vld [tilespmem:s17+$0x40]  }
0x26: {  	v4 =	vmov s11;
	v6 =	vld [tilespmem:s15+$0x40]  }
0x27: {  	s30 =	simm.s32 $0x0;
	v8 =	vand.u32 $0x7F, v4;
	v7 =	vld [tilespmem:s17+$0xFFFFFF80]  }
0x28: {  	v4 =	vmov s30;
	v10 =	vadd.s32 v0, v8;
	v9 =	vld [tilespmem:s15+$0xFFFFFF80]  }
0x29: {  	v11 =	vand.u32 $0x7C, v4;
	s7 =	simm.s32 $0x1;
	v12 =	vld [tilespmem:s17+$0xFFFFFFC0]  }
0x2a: {  	v13 =	vadd.s32 v0, v11;
	v4 =	vmov s7;
	v14 =	vld [tilespmem:s15+$0xFFFFFFC0]  }
0x2b: {  	v4 =	vand.u32 $0x7D, v4;
	v5 =	vadd.f32 v6, v5  }
0x2c: {  	s11 =	simm.s32 $0x2;
	v15 =	vadd.s32 v0, v4;
	v17 =	vld [tilespmem:s15+$0x0]  }
0x2d: {  	v16 =	vmov s11;
	v6 =	vld [tilespmem:s17+$0x0];
	v7 =	vadd.f32 v9, v7;
	[tilespmem:v10+s20+$0x0] =	vst.idx.msk $0xffff, v5  }
0x2e: {  	v5 =	vand.u32 $0x7E, v16;
	v9 =	vld [tilespmem:s17+$0x50]  }
0x2f: {  	[tilespmem:v13+s20+$0x0] =	vst.idx.msk $0xffff, v7;
	v7 =	vadd.f32 v14, v12;
	v10 =	vadd.s32 v0, v5;
	v12 =	vld [tilespmem:s15+$0x50]  }
0x30: {  	v13 =	vld [tilespmem:s17+$0xFFFFFF90]  }
0x31: {  	v14 =	vld [tilespmem:s15+$0xFFFFFF90];
	[tilespmem:v15+s20+$0x0] =	vst.idx.msk $0xffff, v7;
	v7 =	vadd.s32 v1, v8  }
0x32: {  	v6 =	vadd.f32 v17, v6;
	v15 =	vld [tilespmem:s17+$0xFFFFFFD0]  }
0x33: {  	v16 =	vadd.s32 v1, v11;
	v17 =	vld [tilespmem:s15+$0xFFFFFFD0]  }
0x34: {  	[tilespmem:v10+s20+$0x0] =	vst.idx.msk $0xffff, v6;
	v6 =	vadd.f32 v12, v9  }
0x35: {  	v10 =	vadd.s32 v1, v4;
	v9 =	vld [tilespmem:s17+$0x10]  }
0x36: {  	v13 =	vadd.f32 v14, v13;
	v12 =	vld [tilespmem:s15+$0x10];
	[tilespmem:v7+s20+$0x0] =	vst.idx.msk $0xffff, v6  }
0x37: {  	v6 =	vld [tilespmem:s17+$0x60]  }
0x38: {  	v7 =	vadd.s32 v1, v5;
	[tilespmem:v16+s20+$0x0] =	vst.idx.msk $0xffff, v13;
	v13 =	vadd.f32 v17, v15;
	v14 =	vld [tilespmem:s15+$0x60]  }
0x39: {  	v15 =	vld [tilespmem:s17+$0xFFFFFFA0]  }
0x3a: {  	v16 =	vld [tilespmem:s15+$0xFFFFFFA0];
	[tilespmem:v10+s20+$0x0] =	vst.idx.msk $0xffff, v13;
	v10 =	vadd.s32 v2, v8  }
0x3b: {  	v9 =	vadd.f32 v12, v9  }
0x3c: {  	v13 =	vadd.s32 v2, v11;
	v12 =	vld [tilespmem:s17+$0xFFFFFFE0]  }
0x3d: {  	v17 =	vld [tilespmem:s15+$0xFFFFFFE0];
	[tilespmem:v7+s20+$0x0] =	vst.idx.msk $0xffff, v9;
	v6 =	vadd.f32 v14, v6  }
0x3e: {  	v9 =	vld [tilespmem:s17+$0x20]  }
0x3f: {  	v15 =	vadd.f32 v16, v15;
	v14 =	vld [tilespmem:s15+$0x20];
	[tilespmem:v10+s20+$0x0] =	vst.idx.msk $0xffff, v6  }
0x40: {  	v6 =	vld [tilespmem:s17+$0x70]  }
0x41: {  	v7 =	vadd.s32 v2, v4;
	[tilespmem:v13+s20+$0x0] =	vst.idx.msk $0xffff, v15;
	v13 =	vld [tilespmem:s15+$0x70]  }
0x42: {  	v15 =	vadd.s32 v2, v5;
	v16 =	vld [tilespmem:s17+$0xFFFFFFB0]  }
0x43: {  	s6 =	simm.s32 $0x4180;
	v18 =	vadd.s32 v3, v8;
	v10 =	vadd.f32 v17, v12;
	v17 =	vld [tilespmem:s15+$0xFFFFFFB0]  }
0x44: {  	s7 =	simm.s32 $0x14980;
	v8 =	vadd.s32 v3, v11;
	v11 =	vld [tilespmem:s6+$0xFFFFFF80]  }
0x45: {  	s30 =	simm.s32 $0x7;
	v12 =	vld [tilespmem:s7+$0x40];
	v9 =	vadd.f32 v14, v9  }
0x46: {  	[tilespmem:v7+s20+$0x0] =	vst.idx.msk $0xffff, v10;
	v10 =	vld [tilespmem:s6+$0x40];
	v14 =	vmov s30;
	v19 =	vadd.f32 v13, v6  }
0x47: {  	s11 =	simm.s32 $0x4;
	v7 =	vld [tilespmem:s17+$0xFFFFFFF0];
	[tilespmem:v15+s20+$0x0] =	vst.idx.msk $0xffff, v9;
	v6 =	vand.u32 $0x7F, v14  }
0x48: {  	s29 =	simm.s32 $0x8;
	v15 =	vmov s11;
	v14 =	vld [tilespmem:s7+$0xFFFFFF80];
	v9 =	vadd.f32 v17, v16;
	v13 =	vadd.s32 v0, v6;
	[tilespmem:v18+s20+$0x0] =	vst.idx.msk $0xffff, v19  }
.LBB2_3:
0x49: {  	p1 =	slt.u32 s29, $0x7C;
	v15 =	vand.u32 $0x7C, v15;
	s30 =	sadd.s32 $0x1, s11;
	v16 =	vld [tilespmem:s6+$0xFFFFFFC0]  }
0x4a: {  	v17 =	vadd.s32 v0, v15;
	v18 =	vmov s30;
	v19 =	vld [tilespmem:s7+$0xFFFFFFC0];
	[tilespmem:v8+s20+$0x0] =	vst.idx.msk $0xffff, v9  }
0x4b: {  	s30 =	sadd.s32 $0x2, s11;
	s11 =	smov.u32 s29;
	v8 =	vand.u32 $0x7D, v18;
	v9 =	vld [tilespmem:s6+$0x0];
	v10 =	vadd.f32 v12, v10  }
0x4c: {  	v18 =	vmov s30;
	v12 =	vadd.s32 v0, v8;
	v20 =	vld [tilespmem:s7+$0x0]  }
0x4d: {  	v11 =	vadd.f32 v14, v11;
	v14 =	vand.u32 $0x7E, v18;
	[tilespmem:v13+s20+$0x0] =	vst.idx.msk $0xffff, v10;
	v10 =	vld [tilespmem:s15+$0xFFFFFFF0]  }
0x4e: {  	v13 =	vadd.s32 v0, v14;
	v18 =	vld [tilespmem:s6+$0x50]  }
0x4f: {  	[tilespmem:v17+s20+$0x0] =	vst.idx.msk $0xffff, v11;
	v11 =	vadd.f32 v19, v16;
	v16 =	vld [tilespmem:s7+$0x50];
	v17 =	vadd.s32 v3, v4;
	v4 =	vmov v8  }
0x50: {  	v8 =	vld [tilespmem:s6+$0xFFFFFF90]  }
0x51: {  	v19 =	vld [tilespmem:s7+$0xFFFFFF90];
	[tilespmem:v12+s20+$0x0] =	vst.idx.msk $0xffff, v11;
	v9 =	vadd.f32 v20, v9;
	v11 =	vadd.s32 v1, v6  }
0x52: {  	v12 =	vld [tilespmem:s6+$0xFFFFFFD0];
	v7 =	vadd.f32 v10, v7  }
0x53: {  	v10 =	vadd.s32 v1, v15;
	v20 =	vld [tilespmem:s7+$0xFFFFFFD0];
	[tilespmem:v13+s20+$0x0] =	vst.idx.msk $0xffff, v9  }
0x54: {  	v9 =	vld [tilespmem:s6+$0x10];
	v13 =	vadd.f32 v16, v18;
	[tilespmem:v17+s20+$0x0] =	vst.idx.msk $0xffff, v7  }
0x55: {  	v7 =	vadd.s32 v1, v4;
	v16 =	vld [tilespmem:s7+$0x10]  }
0x56: {  	v8 =	vadd.f32 v19, v8;
	[tilespmem:v11+s20+$0x0] =	vst.idx.msk $0xffff, v13;
	v11 =	vld [tilespmem:s17+$0x30];
	s17 =	smov.u32 s6  }
0x57: {  	v13 =	vadd.s32 v1, v14;
	v17 =	vld [tilespmem:s6+$0x60]  }
0x58: {  	[tilespmem:v10+s20+$0x0] =	vst.idx.msk $0xffff, v8;
	v8 =	vadd.f32 v20, v12;
	v10 =	vld [tilespmem:s7+$0x60]  }
0x59: {  	v12 =	vld [tilespmem:s6+$0xFFFFFFA0]  }
0x5a: {  	v18 =	vld [tilespmem:s7+$0xFFFFFFA0];
	[tilespmem:v7+s20+$0x0] =	vst.idx.msk $0xffff, v8;
	v7 =	vadd.f32 v16, v9;
	v8 =	vadd.s32 v2, v6  }
0x5b: {  	v9 =	vld [tilespmem:s6+$0xFFFFFFE0]  }
0x5c: {  	v16 =	vadd.s32 v2, v15;
	v19 =	vld [tilespmem:s7+$0xFFFFFFE0];
	[tilespmem:v13+s20+$0x0] =	vst.idx.msk $0xffff, v7  }
0x5d: {  	v7 =	vld [tilespmem:s6+$0x20];
	v10 =	vadd.f32 v10, v17  }
0x5e: {  	v13 =	vadd.s32 v2, v4;
	v17 =	vld [tilespmem:s7+$0x20]  }
0x5f: {  	v12 =	vadd.f32 v18, v12;
	[tilespmem:v8+s20+$0x0] =	vst.idx.msk $0xffff, v10;
	v8 =	vld [tilespmem:s15+$0x30];
	s15 =	smov.u32 s7  }
0x60: {  	v18 =	vadd.s32 v2, v14;
	v20 =	vld [tilespmem:s6+$0x70]  }
0x61: {  	[tilespmem:v16+s20+$0x0] =	vst.idx.msk $0xffff, v12;
	v9 =	vadd.f32 v19, v9;
	v16 =	vld [tilespmem:s7+$0x70];
	v19 =	vadd.s32 v3, v5;
	v5 =	vmov v14  }
0x62: {  	v21 =	vld [tilespmem:s6+$0xFFFFFFB0]  }
0x63: {  	v22 =	vld [tilespmem:s7+$0xFFFFFFB0];
	[tilespmem:v13+s20+$0x0] =	vst.idx.msk $0xffff, v9;
	v9 =	vadd.f32 v17, v7;
	v17 =	vadd.s32 v3, v6  }
.Ltmp0:
0x64: {  	s6 =	sadd.s32 $0x100, s6;
	v7 =	vld [tilespmem:s17+$0xFFFFFFF0];
	v6 =	vadd.f32 v8, v11;
	(pc) =	sbr.rel @p1 .LBB2_3-.Ltmp0, $4  }
0x65: {  	s30 =	sadd.s32 $0x3, s29;
	s7 =	sadd.s32 $0x100, s7;
	v8 =	vadd.s32 v3, v15;
	v10 =	vld [tilespmem:s6+$0x40];
	[tilespmem:v18+s20+$0x0] =	vst.idx.msk $0xffff, v9  }
0x66: {  	v9 =	vmov s30;
	v12 =	vld [tilespmem:s7+$0x40];
	v16 =	vadd.f32 v16, v20;
	[tilespmem:v19+s20+$0x0] =	vst.idx.msk $0xffff, v6  }
0x67: {  	v6 =	vand.u32 $0x7F, v9;
	v11 =	vld [tilespmem:s6+$0xFFFFFF80]  }
0x68: {  	s29 =	sadd.s32 $0x4, s29;
	v15 =	vmov s11;
	v13 =	vadd.s32 v0, v6;
	v14 =	vld [tilespmem:s7+$0xFFFFFF80];
	v9 =	vadd.f32 v22, v21;
	[tilespmem:v17+s20+$0x0] =	vst.idx.msk $0xffff, v16  }
0x69: {  	v15 =	vand.u32 $0x7C, v15;
	s29 =	sadd.s32 $0x1, s11;
	v16 =	vld [tilespmem:s6+$0xFFFFFFC0]  }
0x6a: {  	v19 =	vld [tilespmem:s7+$0xFFFFFFC0];
	v17 =	vadd.s32 v0, v15;
	v18 =	vmov s29  }
0x6b: {  	s30 =	sadd.s32 $0x2, s11;
	v20 =	vld [tilespmem:s6+$0x0];
	v18 =	vand.u32 $0x7D, v18;
	v10 =	vadd.f32 v12, v10  }
0x6c: {  	v22 =	vld [tilespmem:s7+$0x0];
	v21 =	vmov s30;
	v62 =	vadd.s32 v0, v18  }
0x6d: {  	v28 =	vld [tilespmem:s15+$0xFFFFFFF0];
	v63 =	vand.u32 $0x7E, v21;
	v11 =	vadd.f32 v14, v11;
	[tilespmem:v13+s20+$0x0] =	vst.idx.msk $0xffff, v10  }
0x6e: {  	v29 =	vadd.s32 v0, v63;
	v30 =	vld [tilespmem:s6+$0x50]  }
0x6f: {  	v31 =	vadd.f32 v19, v16;
	v32 =	vld [tilespmem:s7+$0x50];
	[tilespmem:v17+s20+$0x0] =	vst.idx.msk $0xffff, v11  }
0x70: {  	v17 =	vld [tilespmem:s6+$0xFFFFFF90]  }
0x71: {  	v35 =	vadd.s32 v1, v6;
	v34 =	vadd.f32 v22, v20;
	v33 =	vld [tilespmem:s7+$0xFFFFFF90];
	[tilespmem:v62+s20+$0x0] =	vst.idx.msk $0xffff, v31  }
0x72: {  	v36 =	vld [tilespmem:s6+$0xFFFFFFD0]  }
0x73: {  	v37 =	vadd.s32 v1, v15;
	[tilespmem:v29+s20+$0x0] =	vst.idx.msk $0xffff, v34;
	v23 =	vld [tilespmem:s7+$0xFFFFFFD0]  }
0x74: {  	v11 =	vld [tilespmem:s6+$0x10];
	v38 =	vadd.f32 v32, v30  }
0x75: {  	v39 =	vadd.s32 v1, v18;
	v40 =	vld [tilespmem:s7+$0x10]  }
0x76: {  	v41 =	vld [tilespmem:s17+$0x30];
	v17 =	vadd.f32 v33, v17;
	[tilespmem:v35+s20+$0x0] =	vst.idx.msk $0xffff, v38  }
0x77: {  	v42 =	vadd.s32 v1, v63;
	v43 =	vld [tilespmem:s6+$0x60]  }
0x78: {  	v45 =	vld [tilespmem:s7+$0x60];
	[tilespmem:v37+s20+$0x0] =	vst.idx.msk $0xffff, v17;
	v44 =	vadd.f32 v23, v36  }
0x79: {  	v22 =	vld [tilespmem:s6+$0xFFFFFFA0]  }
0x7a: {  	v47 =	vadd.s32 v2, v6;
	v11 =	vadd.f32 v40, v11;
	v46 =	vld [tilespmem:s7+$0xFFFFFFA0];
	[tilespmem:v39+s20+$0x0] =	vst.idx.msk $0xffff, v44  }
0x7b: {  	v17 =	vld [tilespmem:s6+$0xFFFFFFE0]  }
0x7c: {  	v48 =	vadd.s32 v2, v15;
	[tilespmem:v42+s20+$0x0] =	vst.idx.msk $0xffff, v11;
	v24 =	vld [tilespmem:s7+$0xFFFFFFE0]  }
0x7d: {  	v11 =	vld [tilespmem:s6+$0x20];
	v49 =	vadd.f32 v45, v43  }
0x7e: {  	v50 =	vadd.s32 v2, v18;
	v51 =	vld [tilespmem:s7+$0x20]  }
0x7f: {  	v52 =	vld [tilespmem:s15+$0x30];
	v22 =	vadd.f32 v46, v22;
	[tilespmem:v47+s20+$0x0] =	vst.idx.msk $0xffff, v49  }
0x80: {  	v53 =	vadd.s32 v2, v63;
	v54 =	vld [tilespmem:s6+$0x70]  }
0x81: {  	v55 =	vld [tilespmem:s7+$0x70];
	[tilespmem:v48+s20+$0x0] =	vst.idx.msk $0xffff, v22;
	v17 =	vadd.f32 v24, v17  }
0x82: {  	v22 =	vld [tilespmem:s6+$0xFFFFFFB0]  }
0x83: {  	v11 =	vadd.f32 v51, v11;
	v56 =	vld [tilespmem:s7+$0xFFFFFFB0];
	[tilespmem:v50+s20+$0x0] =	vst.idx.msk $0xffff, v17  }
0x84: {  	v4 =	vadd.s32 v3, v4;
	v19 =	vld [tilespmem:s6+$0xFFFFFFF0]  }
0x85: {  	v5 =	vadd.s32 v3, v5;
	[tilespmem:v53+s20+$0x0] =	vst.idx.msk $0xffff, v11;
	v57 =	vld [tilespmem:s7+$0xFFFFFFF0]  }
0x86: {  	v58 =	vadd.s32 v3, v6;
	v16 =	vld [tilespmem:s6+$0x30]  }
0x87: {  	v59 =	vadd.s32 v3, v15;
	v7 =	vadd.f32 v28, v7;
	v60 =	vld [tilespmem:s7+$0x30]  }
0x88: {  	[tilespmem:v8+s20+$0x0] =	vst.idx.msk $0xffff, v9;
	v61 =	vadd.f32 v52, v41;
	v62 =	vadd.s32 v3, v18  }
0x89: {  	v63 =	vadd.s32 v3, v63;
	[tilespmem:v4+s20+$0x0] =	vst.idx.msk $0xffff, v7;
	v4 =	vadd.f32 v55, v54  }
0x8a: {  	[tilespmem:v5+s20+$0x0] =	vst.idx.msk $0xffff, v61;
	v5 =	vadd.f32 v56, v22  }
0x8b: {  	[tilespmem:v58+s20+$0x0] =	vst.idx.msk $0xffff, v4;
	v4 =	vadd.f32 v57, v19  }
0x8c: {  	s7 =	sor.u32 s5, s12;
	[tilespmem:v59+s20+$0x0] =	vst.idx.msk $0xffff, v5;
	v5 =	vadd.f32 v60, v16  }
0x8d: {  	s15 =	sshll.u32 s7, $0xC;
	[tilespmem:v62+s20+$0x0] =	vst.idx.msk $0xffff, v4  }
0x8e: {  	s11 =	simm.s32 $0xC000;
	s7 =	sadd.s32 s1, s15;
	[tilespmem:v63+s20+$0x0] =	vst.idx.msk $0xffff, v5  }
0x8f: {  	[hbm4b:s7+s3] =	stream.linear.scatter [tilespmem:s11], [sflag:$0x5], $0x80, $0x38;
	[tilespmem:$0x1C800] =	vst v63  }
0x90: {  	s17 =	simm.s32 $0xC088;
	s30 =	sadd.s32 $0x10, s7  }
0x91: {  	[hbm4b:s30+s3] =	stream.linear.scatter [tilespmem:s17], [sflag:$0x5], $0x80, $0x38;
	[tilespmem:$0x1C800] =	vst v63  }
0x92: {  	s17 =	simm.s32 $0xC110;
	s30 =	sadd.s32 $0x20, s7  }
0x93: {  	[hbm4b:s30+s3] =	stream.linear.scatter [tilespmem:s17], [sflag:$0x5], $0x80, $0x38;
	[tilespmem:$0x1C800] =	vst v63  }
0x94: {  	s17 =	simm.s32 $0xC198;
	s30 =	sadd.s32 $0x30, s7  }
0x95: {  	[hbm4b:s30+s3] =	stream.linear.scatter [tilespmem:s17], [sflag:$0x5], $0x80, $0x38;
	[tilespmem:$0x1C800] =	vst v63  }
0x96: {  	s17 =	simm.s32 $0xC220;
	s30 =	sadd.s32 $0x40, s7  }
0x97: {  	[hbm4b:s30+s3] =	stream.linear.scatter [tilespmem:s17], [sflag:$0x5], $0x80, $0x38;
	[tilespmem:$0x1C800] =	vst v63  }
0x98: {  	s6 =	simm.s32 $0x440;
	s17 =	simm.s32 $0xC2A8;
	s30 =	sadd.s32 $0x50, s7  }
0x99: {  	[hbm4b:s30+s3] =	stream.linear.scatter [tilespmem:s17], [sflag:$0x5], $0x80, $0x38;
	[tilespmem:$0x1C800] =	vst v63  }
0x9a: {  	s29 =	sadd.s32 $0x70, s7;
	s17 =	simm.s32 $0xC330;
	s30 =	sadd.s32 $0x60, s7  }
0x9b: {  	[hbm4b:s30+s3] =	stream.linear.scatter [tilespmem:s17], [sflag:$0x5], $0x80, $0x38;
	[tilespmem:$0x1C800] =	vst v63  }
0x9c: {  	s11 =	simm.s32 $0x2200;
	s7 =	sadd.s32 $0x200, s7;
	s17 =	simm.s32 $0xC3B8  }
.LBB2_5:
0x9d: {  	[hbm4b:s29+s3] =	stream.linear.scatter [tilespmem:s17], [sflag:$0x5], $0x80, $0x38;
	[tilespmem:$0x1C800] =	vst v63  }
0x9e: {  	s17 =	smov.u32 s6;
	s6 =	smov.u32 s11  }
0x9f: {  	s30 =	sadd.s32 $0x1100, s11;
	s6 =	sshra.s32 s6, $0x2;
	s29 =	sadd.s32 $0xC000, s17  }
0xa0: {  	[hbm4b:s7+s3] =	stream.linear.scatter [tilespmem:s29], [sflag:$0x5], $0x80, $0x38;
	[tilespmem:$0x1C800] =	vst v63  }
0xa1: {  	p1 =	sne.s32 s11, $0x7700;
	s11 =	sadd.s32 $0xC088, s17;
	s29 =	sadd.s32 $0x10, s7  }
0xa2: {  	[hbm4b:s29+s3] =	stream.linear.scatter [tilespmem:s11], [sflag:$0x5], $0x80, $0x38;
	[tilespmem:$0x1C800] =	vst v63  }
0xa3: {  	s11 =	sadd.s32 $0xC110, s17;
	s29 =	sadd.s32 $0x20, s7  }
0xa4: {  	[hbm4b:s29+s3] =	stream.linear.scatter [tilespmem:s11], [sflag:$0x5], $0x80, $0x38;
	[tilespmem:$0x1C800] =	vst v63  }
0xa5: {  	s11 =	sadd.s32 $0xC198, s17;
	s29 =	sadd.s32 $0x30, s7  }
0xa6: {  	[hbm4b:s29+s3] =	stream.linear.scatter [tilespmem:s11], [sflag:$0x5], $0x80, $0x38;
	[tilespmem:$0x1C800] =	vst v63  }
0xa7: {  	s11 =	sadd.s32 $0xC220, s17;
	s29 =	sadd.s32 $0x40, s7  }
0xa8: {  	[hbm4b:s29+s3] =	stream.linear.scatter [tilespmem:s11], [sflag:$0x5], $0x80, $0x38;
	[tilespmem:$0x1C800] =	vst v63  }
.Ltmp1:
0xa9: {  	s11 =	sadd.s32 $0xC2A8, s17;
	s29 =	sadd.s32 $0x50, s7;
	(pc) =	sbr.rel @p1 .LBB2_5-.Ltmp1, $4  }
0xaa: {  	[hbm4b:s29+s3] =	stream.linear.scatter [tilespmem:s11], [sflag:$0x5], $0x80, $0x38;
	[tilespmem:$0x1C800] =	vst v63  }
0xab: {  	s11 =	sadd.s32 $0xC330, s17;
	s29 =	sadd.s32 $0x60, s7;
	s17 =	sadd.s32 $0xC3B8, s17  }
0xac: {  	[hbm4b:s29+s3] =	stream.linear.scatter [tilespmem:s11], [sflag:$0x5], $0x80, $0x38;
	[tilespmem:$0x1C800] =	vst v63  }
0xad: {  	s29 =	sadd.s32 $0x70, s7;
	s7 =	sadd.s32 $0x200, s7;
	s11 =	smov.u32 s30  }
0xae: {  	[hbm4b:s29+s3] =	stream.linear.scatter [tilespmem:s17], [sflag:$0x5], $0x80, $0x38;
	[tilespmem:$0x1C800] =	vst v63  }
0xaf: {  	s11 =	sadd.s32 $0xC000, s6  }
0xb0: {  	[hbm4b:s7+s3] =	stream.linear.scatter [tilespmem:s11], [sflag:$0x5], $0x80, $0x38;
	[tilespmem:$0x1C800] =	vst v63  }
0xb1: {  	s17 =	sadd.s32 $0xC088, s6;
	s30 =	sadd.s32 $0x10, s7  }
0xb2: {  	[hbm4b:s30+s3] =	stream.linear.scatter [tilespmem:s17], [sflag:$0x5], $0x80, $0x38;
	[tilespmem:$0x1C800] =	vst v63  }
0xb3: {  	s17 =	sadd.s32 $0xC110, s6;
	s30 =	sadd.s32 $0x20, s7  }
0xb4: {  	[hbm4b:s30+s3] =	stream.linear.scatter [tilespmem:s17], [sflag:$0x5], $0x80, $0x38;
	[tilespmem:$0x1C800] =	vst v63  }
0xb5: {  	s17 =	sadd.s32 $0xC198, s6;
	s30 =	sadd.s32 $0x30, s7  }
0xb6: {  	[hbm4b:s30+s3] =	stream.linear.scatter [tilespmem:s17], [sflag:$0x5], $0x80, $0x38;
	[tilespmem:$0x1C800] =	vst v63  }
0xb7: {  	s17 =	sadd.s32 $0xC220, s6;
	s30 =	sadd.s32 $0x40, s7  }
0xb8: {  	[hbm4b:s30+s3] =	stream.linear.scatter [tilespmem:s17], [sflag:$0x5], $0x80, $0x38;
	[tilespmem:$0x1C800] =	vst v63  }
0xb9: {  	s17 =	sadd.s32 $0xC2A8, s6;
	s30 =	sadd.s32 $0x50, s7  }
0xba: {  	[hbm4b:s30+s3] =	stream.linear.scatter [tilespmem:s17], [sflag:$0x5], $0x80, $0x38;
	[tilespmem:$0x1C800] =	vst v63  }
0xbb: {  	s17 =	sadd.s32 $0xC330, s6;
	s30 =	sadd.s32 $0x60, s7  }
0xbc: {  	[hbm4b:s30+s3] =	stream.linear.scatter [tilespmem:s17], [sflag:$0x5], $0x80, $0x38;
	[tilespmem:$0x1C800] =	vst v63  }
0xbd: {  	s17 =	sadd.s32 $0xC3B8, s6;
	s30 =	sadd.s32 $0x70, s7;
	s6 =	simm.s32 @!p0 $0x8  }
0xbe: {  	[hbm4b:s30+s3] =	stream.linear.scatter [tilespmem:s17], [sflag:$0x5], $0x80, $0x38;
	[tilespmem:$0x1C800] =	vst v63  }
0xbf: {  	_ =	swait.ge @!p0 [sflag:s6], $0x2000  }
0xc0: {  	[sflag:s6] =	ssyncset.done @!p0 $0x0  }
0xc1: {  	s7 =	sadd.s32 $0xC00, s16;
	[sflag:s6] =	ssyncadd.s32 @!p0 $0xFFFFE000  }
0xc2: {  	[tilespmem:s21], [sflag:$0x4] =	stream.indirect.gather [hbm4b:s4+s14], $0x40, s7, s14, $0xb8;
	[tilespmem:$0x1C800] =	vst v63  }
0xc3: {  	_ =	swait.ge [sflag:s22], $0x2000  }
0xc4: {  	[sflag:s22] =	ssyncset.done $0x0  }
0xc5: {  	s17 =	simm.s32 $0x6080;
	[sflag:s22] =	ssyncadd.s32 $0xFFFFE000  }
0xc6: {  	s11 =	simm.s32 $0x3;
	s16 =	simm.s32 $0x168F0;
	v5 =	vld [tilespmem:s17+$0x40]  }
0xc7: {  	v4 =	vmov s11;
	v6 =	vld [tilespmem:s16+$0xFFFFFFD0]  }
0xc8: {  	v8 =	vand.u32 $0x7F, v4;
	s30 =	simm.s32 $0x0;
	v7 =	vld [tilespmem:s17+$0xFFFFFF80]  }
0xc9: {  	v10 =	vadd.s32 v0, v8;
	v4 =	vmov s30;
	v9 =	vld [tilespmem:s16+$0xFFFFFF10]  }
0xca: {  	v11 =	vand.u32 $0x7C, v4;
	s7 =	simm.s32 $0x1;
	v12 =	vld [tilespmem:s17+$0xFFFFFFC0]  }
0xcb: {  	v13 =	vadd.s32 v0, v11;
	v4 =	vmov s7;
	v14 =	vld [tilespmem:s16+$0xFFFFFF50]  }
0xcc: {  	v4 =	vand.u32 $0x7D, v4;
	v5 =	vadd.f32 v6, v5  }
0xcd: {  	s11 =	simm.s32 $0x2;
	v15 =	vadd.s32 v0, v4;
	v17 =	vld [tilespmem:s16+$0xFFFFFF90]  }
0xce: {  	v16 =	vmov s11;
	v6 =	vld [tilespmem:s17+$0x0];
	v7 =	vadd.f32 v9, v7;
	[tilespmem:v10+s23+$0x0] =	vst.idx.msk $0xffff, v5  }
0xcf: {  	v5 =	vand.u32 $0x7E, v16;
	v9 =	vld [tilespmem:s17+$0x50]  }
0xd0: {  	[tilespmem:v13+s23+$0x0] =	vst.idx.msk $0xffff, v7;
	v7 =	vadd.f32 v14, v12;
	v10 =	vadd.s32 v0, v5;
	v12 =	vld [tilespmem:s16+$0xFFFFFFE0]  }
0xd1: {  	v13 =	vld [tilespmem:s17+$0xFFFFFF90]  }
0xd2: {  	v14 =	vld [tilespmem:s16+$0xFFFFFF20];
	[tilespmem:v15+s23+$0x0] =	vst.idx.msk $0xffff, v7;
	v7 =	vadd.s32 v1, v8  }
0xd3: {  	v6 =	vadd.f32 v17, v6;
	v15 =	vld [tilespmem:s17+$0xFFFFFFD0]  }
0xd4: {  	v16 =	vadd.s32 v1, v11;
	v17 =	vld [tilespmem:s16+$0xFFFFFF60]  }
0xd5: {  	[tilespmem:v10+s23+$0x0] =	vst.idx.msk $0xffff, v6;
	v6 =	vadd.f32 v12, v9  }
0xd6: {  	v10 =	vadd.s32 v1, v4;
	v9 =	vld [tilespmem:s17+$0x10]  }
0xd7: {  	v13 =	vadd.f32 v14, v13;
	v12 =	vld [tilespmem:s16+$0xFFFFFFA0];
	[tilespmem:v7+s23+$0x0] =	vst.idx.msk $0xffff, v6  }
0xd8: {  	v6 =	vld [tilespmem:s17+$0x60]  }
0xd9: {  	v7 =	vadd.s32 v1, v5;
	[tilespmem:v16+s23+$0x0] =	vst.idx.msk $0xffff, v13;
	v13 =	vadd.f32 v17, v15;
	v14 =	vld [tilespmem:s16+$0xFFFFFFF0]  }
0xda: {  	v15 =	vld [tilespmem:s17+$0xFFFFFFA0]  }
0xdb: {  	v16 =	vld [tilespmem:s16+$0xFFFFFF30];
	[tilespmem:v10+s23+$0x0] =	vst.idx.msk $0xffff, v13;
	v10 =	vadd.s32 v2, v8  }
0xdc: {  	v9 =	vadd.f32 v12, v9  }
0xdd: {  	v13 =	vadd.s32 v2, v11;
	v12 =	vld [tilespmem:s17+$0xFFFFFFE0]  }
0xde: {  	v17 =	vld [tilespmem:s16+$0xFFFFFF70];
	[tilespmem:v7+s23+$0x0] =	vst.idx.msk $0xffff, v9;
	v6 =	vadd.f32 v14, v6  }
0xdf: {  	v9 =	vld [tilespmem:s17+$0x20]  }
0xe0: {  	v15 =	vadd.f32 v16, v15;
	v14 =	vld [tilespmem:s16+$0xFFFFFFB0];
	[tilespmem:v10+s23+$0x0] =	vst.idx.msk $0xffff, v6  }
0xe1: {  	v6 =	vld [tilespmem:s17+$0x70]  }
0xe2: {  	v7 =	vadd.s32 v2, v4;
	[tilespmem:v13+s23+$0x0] =	vst.idx.msk $0xffff, v15;
	v13 =	vld [tilespmem:s16+$0x0]  }
0xe3: {  	v15 =	vadd.s32 v2, v5;
	v16 =	vld [tilespmem:s17+$0xFFFFFFB0]  }
0xe4: {  	v18 =	vadd.s32 v3, v8;
	s6 =	simm.s32 $0x6180;
	v10 =	vadd.f32 v17, v12;
	v17 =	vld [tilespmem:s16+$0xFFFFFF40]  }
0xe5: {  	s7 =	simm.s32 $0x169F0;
	v8 =	vadd.s32 v3, v11;
	v11 =	vld [tilespmem:s6+$0xFFFFFF80]  }
0xe6: {  	s30 =	simm.s32 $0x7;
	v12 =	vld [tilespmem:s7+$0xFFFFFFD0];
	v9 =	vadd.f32 v14, v9  }
0xe7: {  	[tilespmem:v7+s23+$0x0] =	vst.idx.msk $0xffff, v10;
	v10 =	vld [tilespmem:s6+$0x40];
	v14 =	vmov s30;
	v19 =	vadd.f32 v13, v6  }
0xe8: {  	s11 =	simm.s32 $0x4;
	v7 =	vld [tilespmem:s17+$0xFFFFFFF0];
	[tilespmem:v15+s23+$0x0] =	vst.idx.msk $0xffff, v9;
	v6 =	vand.u32 $0x7F, v14  }
0xe9: {  	s29 =	simm.s32 $0x8;
	v15 =	vmov s11;
	v14 =	vld [tilespmem:s7+$0xFFFFFF10];
	v9 =	vadd.f32 v17, v16;
	v13 =	vadd.s32 v0, v6;
	[tilespmem:v18+s23+$0x0] =	vst.idx.msk $0xffff, v19  }
.LBB2_7:
0xea: {  	p0 =	slt.u32 s29, $0x7C;
	v15 =	vand.u32 $0x7C, v15;
	s30 =	sadd.s32 $0x1, s11;
	v16 =	vld [tilespmem:s6+$0xFFFFFFC0]  }
0xeb: {  	v17 =	vadd.s32 v0, v15;
	v18 =	vmov s30;
	v19 =	vld [tilespmem:s7+$0xFFFFFF50];
	[tilespmem:v8+s23+$0x0] =	vst.idx.msk $0xffff, v9  }
0xec: {  	s30 =	sadd.s32 $0x2, s11;
	s11 =	smov.u32 s29;
	v8 =	vand.u32 $0x7D, v18;
	v9 =	vld [tilespmem:s6+$0x0];
	v10 =	vadd.f32 v12, v10  }
0xed: {  	v18 =	vmov s30;
	v12 =	vadd.s32 v0, v8;
	v20 =	vld [tilespmem:s7+$0xFFFFFF90]  }
0xee: {  	v11 =	vadd.f32 v14, v11;
	v14 =	vand.u32 $0x7E, v18;
	[tilespmem:v13+s23+$0x0] =	vst.idx.msk $0xffff, v10;
	v10 =	vld [tilespmem:s16+$0xFFFFFF80]  }
0xef: {  	v13 =	vadd.s32 v0, v14;
	v18 =	vld [tilespmem:s6+$0x50]  }
0xf0: {  	[tilespmem:v17+s23+$0x0] =	vst.idx.msk $0xffff, v11;
	v11 =	vadd.f32 v19, v16;
	v16 =	vld [tilespmem:s7+$0xFFFFFFE0];
	v17 =	vadd.s32 v3, v4;
	v4 =	vmov v8  }
0xf1: {  	v8 =	vld [tilespmem:s6+$0xFFFFFF90]  }
0xf2: {  	v19 =	vld [tilespmem:s7+$0xFFFFFF20];
	[tilespmem:v12+s23+$0x0] =	vst.idx.msk $0xffff, v11;
	v9 =	vadd.f32 v20, v9;
	v11 =	vadd.s32 v1, v6  }
0xf3: {  	v12 =	vld [tilespmem:s6+$0xFFFFFFD0];
	v7 =	vadd.f32 v10, v7  }
0xf4: {  	v10 =	vadd.s32 v1, v15;
	v20 =	vld [tilespmem:s7+$0xFFFFFF60];
	[tilespmem:v13+s23+$0x0] =	vst.idx.msk $0xffff, v9  }
0xf5: {  	v9 =	vld [tilespmem:s6+$0x10];
	v13 =	vadd.f32 v16, v18;
	[tilespmem:v17+s23+$0x0] =	vst.idx.msk $0xffff, v7  }
0xf6: {  	v7 =	vadd.s32 v1, v4;
	v16 =	vld [tilespmem:s7+$0xFFFFFFA0]  }
0xf7: {  	v8 =	vadd.f32 v19, v8;
	[tilespmem:v11+s23+$0x0] =	vst.idx.msk $0xffff, v13;
	v11 =	vld [tilespmem:s17+$0x30];
	s17 =	smov.u32 s6  }
0xf8: {  	v13 =	vadd.s32 v1, v14;
	v17 =	vld [tilespmem:s6+$0x60]  }
0xf9: {  	[tilespmem:v10+s23+$0x0] =	vst.idx.msk $0xffff, v8;
	v8 =	vadd.f32 v20, v12;
	v10 =	vld [tilespmem:s7+$0xFFFFFFF0]  }
0xfa: {  	v12 =	vld [tilespmem:s6+$0xFFFFFFA0]  }
0xfb: {  	v18 =	vld [tilespmem:s7+$0xFFFFFF30];
	[tilespmem:v7+s23+$0x0] =	vst.idx.msk $0xffff, v8;
	v7 =	vadd.f32 v16, v9;
	v8 =	vadd.s32 v2, v6  }
0xfc: {  	v9 =	vld [tilespmem:s6+$0xFFFFFFE0]  }
0xfd: {  	v16 =	vadd.s32 v2, v15;
	v19 =	vld [tilespmem:s7+$0xFFFFFF70];
	[tilespmem:v13+s23+$0x0] =	vst.idx.msk $0xffff, v7  }
0xfe: {  	v7 =	vld [tilespmem:s6+$0x20];
	v10 =	vadd.f32 v10, v17  }
0xff: {  	v13 =	vadd.s32 v2, v4;
	v17 =	vld [tilespmem:s7+$0xFFFFFFB0]  }
0x100: {  	v12 =	vadd.f32 v18, v12;
	[tilespmem:v8+s23+$0x0] =	vst.idx.msk $0xffff, v10;
	v8 =	vld [tilespmem:s16+$0xFFFFFFC0];
	s16 =	smov.u32 s7  }
0x101: {  	v18 =	vadd.s32 v2, v14;
	v20 =	vld [tilespmem:s6+$0x70]  }
0x102: {  	[tilespmem:v16+s23+$0x0] =	vst.idx.msk $0xffff, v12;
	v9 =	vadd.f32 v19, v9;
	v16 =	vld [tilespmem:s7+$0x0];
	v19 =	vadd.s32 v3, v5;
	v5 =	vmov v14  }
0x103: {  	v21 =	vld [tilespmem:s6+$0xFFFFFFB0]  }
0x104: {  	v22 =	vld [tilespmem:s7+$0xFFFFFF40];
	[tilespmem:v13+s23+$0x0] =	vst.idx.msk $0xffff, v9;
	v9 =	vadd.f32 v17, v7;
	v17 =	vadd.s32 v3, v6  }
.Ltmp2:
0x105: {  	s6 =	sadd.s32 $0x100, s6;
	v7 =	vld [tilespmem:s17+$0xFFFFFFF0];
	v6 =	vadd.f32 v8, v11;
	(pc) =	sbr.rel @p0 .LBB2_7-.Ltmp2, $4  }
0x106: {  	s30 =	sadd.s32 $0x3, s29;
	s7 =	sadd.s32 $0x100, s7;
	v8 =	vadd.s32 v3, v15;
	v10 =	vld [tilespmem:s6+$0x40];
	[tilespmem:v18+s23+$0x0] =	vst.idx.msk $0xffff, v9  }
0x107: {  	v9 =	vmov s30;
	v12 =	vld [tilespmem:s7+$0xFFFFFFD0];
	v16 =	vadd.f32 v16, v20;
	[tilespmem:v19+s23+$0x0] =	vst.idx.msk $0xffff, v6  }
0x108: {  	v6 =	vand.u32 $0x7F, v9;
	v11 =	vld [tilespmem:s6+$0xFFFFFF80]  }
0x109: {  	s29 =	sadd.s32 $0x4, s29;
	v15 =	vmov s11;
	v13 =	vadd.s32 v0, v6;
	v14 =	vld [tilespmem:s7+$0xFFFFFF10];
	v9 =	vadd.f32 v22, v21;
	[tilespmem:v17+s23+$0x0] =	vst.idx.msk $0xffff, v16  }
0x10a: {  	v15 =	vand.u32 $0x7C, v15;
	s29 =	sadd.s32 $0x1, s11;
	v16 =	vld [tilespmem:s6+$0xFFFFFFC0]  }
0x10b: {  	v19 =	vld [tilespmem:s7+$0xFFFFFF50];
	v17 =	vadd.s32 v0, v15;
	v18 =	vmov s29  }
0x10c: {  	s30 =	sadd.s32 $0x2, s11;
	v20 =	vld [tilespmem:s6+$0x0];
	v18 =	vand.u32 $0x7D, v18;
	v10 =	vadd.f32 v12, v10  }
0x10d: {  	v22 =	vld [tilespmem:s7+$0xFFFFFF90];
	v21 =	vmov s30;
	v62 =	vadd.s32 v0, v18  }
0x10e: {  	v28 =	vld [tilespmem:s16+$0xFFFFFF80];
	v63 =	vand.u32 $0x7E, v21;
	v11 =	vadd.f32 v14, v11;
	[tilespmem:v13+s23+$0x0] =	vst.idx.msk $0xffff, v10  }
0x10f: {  	v29 =	vadd.s32 v0, v63;
	v30 =	vld [tilespmem:s6+$0x50]  }
0x110: {  	v31 =	vadd.f32 v19, v16;
	v32 =	vld [tilespmem:s7+$0xFFFFFFE0];
	[tilespmem:v17+s23+$0x0] =	vst.idx.msk $0xffff, v11  }
0x111: {  	v17 =	vld [tilespmem:s6+$0xFFFFFF90]  }
0x112: {  	v35 =	vadd.s32 v1, v6;
	v34 =	vadd.f32 v22, v20;
	v33 =	vld [tilespmem:s7+$0xFFFFFF20];
	[tilespmem:v62+s23+$0x0] =	vst.idx.msk $0xffff, v31  }
0x113: {  	v36 =	vld [tilespmem:s6+$0xFFFFFFD0]  }
0x114: {  	v37 =	vadd.s32 v1, v15;
	[tilespmem:v29+s23+$0x0] =	vst.idx.msk $0xffff, v34;
	v23 =	vld [tilespmem:s7+$0xFFFFFF60]  }
0x115: {  	v11 =	vld [tilespmem:s6+$0x10];
	v38 =	vadd.f32 v32, v30  }
0x116: {  	v39 =	vadd.s32 v1, v18;
	v40 =	vld [tilespmem:s7+$0xFFFFFFA0]  }
0x117: {  	v41 =	vld [tilespmem:s17+$0x30];
	v17 =	vadd.f32 v33, v17;
	[tilespmem:v35+s23+$0x0] =	vst.idx.msk $0xffff, v38  }
0x118: {  	v42 =	vadd.s32 v1, v63;
	v43 =	vld [tilespmem:s6+$0x60]  }
0x119: {  	v45 =	vld [tilespmem:s7+$0xFFFFFFF0];
	[tilespmem:v37+s23+$0x0] =	vst.idx.msk $0xffff, v17;
	v44 =	vadd.f32 v23, v36  }
0x11a: {  	v22 =	vld [tilespmem:s6+$0xFFFFFFA0]  }
0x11b: {  	v47 =	vadd.s32 v2, v6;
	v11 =	vadd.f32 v40, v11;
	v46 =	vld [tilespmem:s7+$0xFFFFFF30];
	[tilespmem:v39+s23+$0x0] =	vst.idx.msk $0xffff, v44  }
0x11c: {  	v17 =	vld [tilespmem:s6+$0xFFFFFFE0]  }
0x11d: {  	v48 =	vadd.s32 v2, v15;
	[tilespmem:v42+s23+$0x0] =	vst.idx.msk $0xffff, v11;
	v24 =	vld [tilespmem:s7+$0xFFFFFF70]  }
0x11e: {  	v11 =	vld [tilespmem:s6+$0x20];
	v49 =	vadd.f32 v45, v43  }
0x11f: {  	v50 =	vadd.s32 v2, v18;
	v51 =	vld [tilespmem:s7+$0xFFFFFFB0]  }
0x120: {  	v52 =	vld [tilespmem:s16+$0xFFFFFFC0];
	v22 =	vadd.f32 v46, v22;
	[tilespmem:v47+s23+$0x0] =	vst.idx.msk $0xffff, v49  }
0x121: {  	v53 =	vadd.s32 v2, v63;
	v54 =	vld [tilespmem:s6+$0x70]  }
0x122: {  	v55 =	vld [tilespmem:s7+$0x0];
	[tilespmem:v48+s23+$0x0] =	vst.idx.msk $0xffff, v22;
	v17 =	vadd.f32 v24, v17  }
0x123: {  	v22 =	vld [tilespmem:s6+$0xFFFFFFB0]  }
0x124: {  	v11 =	vadd.f32 v51, v11;
	v56 =	vld [tilespmem:s7+$0xFFFFFF40];
	[tilespmem:v50+s23+$0x0] =	vst.idx.msk $0xffff, v17  }
0x125: {  	v4 =	vadd.s32 v3, v4;
	v19 =	vld [tilespmem:s6+$0xFFFFFFF0]  }
0x126: {  	v5 =	vadd.s32 v3, v5;
	[tilespmem:v53+s23+$0x0] =	vst.idx.msk $0xffff, v11;
	v57 =	vld [tilespmem:s7+$0xFFFFFF80]  }
0x127: {  	v58 =	vadd.s32 v3, v6;
	v16 =	vld [tilespmem:s6+$0x30]  }
0x128: {  	v59 =	vadd.s32 v3, v15;
	v7 =	vadd.f32 v28, v7;
	v60 =	vld [tilespmem:s7+$0xFFFFFFC0]  }
0x129: {  	[tilespmem:v8+s23+$0x0] =	vst.idx.msk $0xffff, v9;
	v61 =	vadd.f32 v52, v41;
	v62 =	vadd.s32 v3, v18  }
0x12a: {  	v63 =	vadd.s32 v3, v63;
	[tilespmem:v4+s23+$0x0] =	vst.idx.msk $0xffff, v7;
	v4 =	vadd.f32 v55, v54  }
0x12b: {  	[tilespmem:v5+s23+$0x0] =	vst.idx.msk $0xffff, v61;
	v5 =	vadd.f32 v56, v22  }
0x12c: {  	[tilespmem:v58+s23+$0x0] =	vst.idx.msk $0xffff, v4;
	v4 =	vadd.f32 v57, v19  }
0x12d: {  	[tilespmem:v59+s23+$0x0] =	vst.idx.msk $0xffff, v5;
	v5 =	vadd.f32 v60, v16  }
0x12e: {  	[tilespmem:v62+s23+$0x0] =	vst.idx.msk $0xffff, v4  }
0x12f: {  	s11 =	simm.s32 $0xE200;
	s7 =	sadd.s32 s15, s8;
	[tilespmem:v63+s23+$0x0] =	vst.idx.msk $0xffff, v5  }
0x130: {  	[hbm4b:s7+s3] =	stream.linear.scatter [tilespmem:s11], [sflag:$0x6], $0x80, $0x38;
	[tilespmem:$0x1C800] =	vst v63  }
0x131: {  	s16 =	simm.s32 $0xE288;
	s17 =	sadd.s32 $0x10, s7  }
0x132: {  	[hbm4b:s17+s3] =	stream.linear.scatter [tilespmem:s16], [sflag:$0x6], $0x80, $0x38;
	[tilespmem:$0x1C800] =	vst v63  }
0x133: {  	s29 =	simm.s32 $0xE310;
	s6 =	simm.s32 $0x440;
	s30 =	sadd.s32 $0x20, s7  }
0x134: {  	[hbm4b:s30+s3] =	stream.linear.scatter [tilespmem:s29], [sflag:$0x6], $0x80, $0x38;
	[tilespmem:$0x1C800] =	vst v63  }
0x135: {  	s11 =	simm.s32 $0x2200;
	s16 =	simm.s32 $0xE398;
	s17 =	sadd.s32 $0x30, s7  }
0x136: {  	[hbm4b:s17+s3] =	stream.linear.scatter [tilespmem:s16], [sflag:$0x6], $0x80, $0x38;
	[tilespmem:$0x1C800] =	vst v63  }
0x137: {  	s29 =	simm.s32 $0xE420;
	s30 =	sadd.s32 $0x40, s7;
	s16 =	simm.s32 $0xE4A8  }
0x138: {  	[hbm4b:s30+s3] =	stream.linear.scatter [tilespmem:s29], [sflag:$0x6], $0x80, $0x38;
	[tilespmem:$0x1C800] =	vst v63  }
0x139: {  	s17 =	sadd.s32 $0x50, s7;
	s29 =	simm.s32 $0xE530;
	s30 =	sadd.s32 $0x60, s7  }
0x13a: {  	[hbm4b:s17+s3] =	stream.linear.scatter [tilespmem:s16], [sflag:$0x6], $0x80, $0x38;
	[tilespmem:$0x1C800] =	vst v63  }
0x13b: {  	s16 =	simm.s32 $0xE5B8;
	s17 =	sadd.s32 $0x70, s7;
	s7 =	sadd.s32 $0x200, s7  }
0x13c: {  	[hbm4b:s30+s3] =	stream.linear.scatter [tilespmem:s29], [sflag:$0x6], $0x80, $0x38;
	[tilespmem:$0x1C800] =	vst v63  }
.LBB2_9:
0x13d: {  	[hbm4b:s17+s3] =	stream.linear.scatter [tilespmem:s16], [sflag:$0x6], $0x80, $0x38;
	[tilespmem:$0x1C800] =	vst v63  }
0x13e: {  	s16 =	smov.u32 s6;
	s6 =	smov.u32 s11  }
0x13f: {  	s29 =	sadd.s32 $0x1100, s11;
	s6 =	sshra.s32 s6, $0x2;
	s17 =	sadd.s32 $0xE200, s16  }
0x140: {  	[hbm4b:s7+s3] =	stream.linear.scatter [tilespmem:s17], [sflag:$0x6], $0x80, $0x38;
	[tilespmem:$0x1C800] =	vst v63  }
0x141: {  	p0 =	sne.s32 s11, $0x7700;
	s11 =	sadd.s32 $0xE288, s16;
	s17 =	sadd.s32 $0x10, s7  }
0x142: {  	[hbm4b:s17+s3] =	stream.linear.scatter [tilespmem:s11], [sflag:$0x6], $0x80, $0x38;
	[tilespmem:$0x1C800] =	vst v63  }
0x143: {  	s11 =	sadd.s32 $0xE310, s16;
	s17 =	sadd.s32 $0x20, s7  }
0x144: {  	[hbm4b:s17+s3] =	stream.linear.scatter [tilespmem:s11], [sflag:$0x6], $0x80, $0x38;
	[tilespmem:$0x1C800] =	vst v63  }
0x145: {  	s11 =	sadd.s32 $0xE398, s16;
	s17 =	sadd.s32 $0x30, s7  }
0x146: {  	[hbm4b:s17+s3] =	stream.linear.scatter [tilespmem:s11], [sflag:$0x6], $0x80, $0x38;
	[tilespmem:$0x1C800] =	vst v63  }
0x147: {  	s11 =	sadd.s32 $0xE420, s16;
	s17 =	sadd.s32 $0x40, s7  }
0x148: {  	[hbm4b:s17+s3] =	stream.linear.scatter [tilespmem:s11], [sflag:$0x6], $0x80, $0x38;
	[tilespmem:$0x1C800] =	vst v63  }
.Ltmp3:
0x149: {  	s11 =	sadd.s32 $0xE4A8, s16;
	s17 =	sadd.s32 $0x50, s7;
	(pc) =	sbr.rel @p0 .LBB2_9-.Ltmp3, $4  }
0x14a: {  	[hbm4b:s17+s3] =	stream.linear.scatter [tilespmem:s11], [sflag:$0x6], $0x80, $0x38;
	[tilespmem:$0x1C800] =	vst v63  }
0x14b: {  	s11 =	sadd.s32 $0xE530, s16;
	s17 =	sadd.s32 $0x60, s7;
	s16 =	sadd.s32 $0xE5B8, s16  }
0x14c: {  	[hbm4b:s17+s3] =	stream.linear.scatter [tilespmem:s11], [sflag:$0x6], $0x80, $0x38;
	[tilespmem:$0x1C800] =	vst v63  }
0x14d: {  	s17 =	sadd.s32 $0x70, s7;
	s7 =	sadd.s32 $0x200, s7;
	s11 =	smov.u32 s29  }
0x14e: {  	[hbm4b:s17+s3] =	stream.linear.scatter [tilespmem:s16], [sflag:$0x6], $0x80, $0x38;
	[tilespmem:$0x1C800] =	vst v63  }
0x14f: {  	s11 =	sadd.s32 $0xE200, s6  }
0x150: {  	[hbm4b:s7+s3] =	stream.linear.scatter [tilespmem:s11], [sflag:$0x6], $0x80, $0x38;
	[tilespmem:$0x1C800] =	vst v63  }
0x151: {  	s17 =	sadd.s32 $0xE288, s6;
	s30 =	sadd.s32 $0x10, s7  }
0x152: {  	[hbm4b:s30+s3] =	stream.linear.scatter [tilespmem:s17], [sflag:$0x6], $0x80, $0x38;
	[tilespmem:$0x1C800] =	vst v63  }
0x153: {  	s17 =	sadd.s32 $0xE310, s6;
	s30 =	sadd.s32 $0x20, s7  }
0x154: {  	[hbm4b:s30+s3] =	stream.linear.scatter [tilespmem:s17], [sflag:$0x6], $0x80, $0x38;
	[tilespmem:$0x1C800] =	vst v63  }
0x155: {  	s17 =	sadd.s32 $0xE398, s6;
	s30 =	sadd.s32 $0x30, s7  }
0x156: {  	[hbm4b:s30+s3] =	stream.linear.scatter [tilespmem:s17], [sflag:$0x6], $0x80, $0x38;
	[tilespmem:$0x1C800] =	vst v63  }
0x157: {  	s17 =	sadd.s32 $0xE420, s6;
	s30 =	sadd.s32 $0x40, s7  }
0x158: {  	[hbm4b:s30+s3] =	stream.linear.scatter [tilespmem:s17], [sflag:$0x6], $0x80, $0x38;
	[tilespmem:$0x1C800] =	vst v63  }
0x159: {  	s17 =	sadd.s32 $0xE4A8, s6;
	s30 =	sadd.s32 $0x50, s7  }
0x15a: {  	[hbm4b:s30+s3] =	stream.linear.scatter [tilespmem:s17], [sflag:$0x6], $0x80, $0x38;
	[tilespmem:$0x1C800] =	vst v63  }
0x15b: {  	p0 =	seq.s32 s12, $0x1F;
	s17 =	sadd.s32 $0xE530, s6;
	s30 =	sadd.s32 $0x60, s7  }
0x15c: {  	[hbm4b:s30+s3] =	stream.linear.scatter [tilespmem:s17], [sflag:$0x6], $0x80, $0x38;
	[tilespmem:$0x1C800] =	vst v63  }
0x15d: {  	s17 =	sadd.s32 $0xE5B8, s6;
	s30 =	sadd.s32 $0x70, s7;
	s6 =	simm.s32 @!p0 $0x5  }
0x15e: {  	[hbm4b:s30+s3] =	stream.linear.scatter [tilespmem:s17], [sflag:$0x6], $0x80, $0x38;
	[tilespmem:$0x1C800] =	vst v63  }
0x15f: {  	s7 =	sadd.s32 @!p0 $0x1, s12;
	_ =	swait.ge @!p0 [sflag:s6], $0x2000  }
0x160: {  	s11 =	sshll.u32 @!p0 s7, $0x7;
	s7 =	sshll.u32 @!p0 s7, $0x9;
	[sflag:s6] =	ssyncset.done @!p0 $0x0  }
0x161: {  	s7 =	sand.u32 @!p0 $0x7000, s7;
	[sflag:s6] =	ssyncadd.s32 @!p0 $0xFFFFE000;
	s6 =	sand.u32 @!p0 $0x380, s11  }
0x162: {  	s16 =	sor.u32 @!p0 s6, s7;
	s6 =	simm.s32 @!p0 $0x80;
	s7 =	simm.s32 @!p0 $0x4000  }
0x163: {  	[tilespmem:s7], [sflag:$0x1] =	stream.indirect.gather @!p0 [hbm4b:s4+s6], $0x40, s16, s6, $0xb8;
	[tilespmem:$0x1C800] =	vst v63  }
0x164: {  	_ =	swait.ge [sflag:s24], $0x2000  }
0x165: {  	[sflag:s24] =	ssyncset.done $0x0  }
0x166: {  	s17 =	simm.s32 $0x0;
	[sflag:s24] =	ssyncadd.s32 $0xFFFFE000  }
0x167: {  	s11 =	simm.s32 $0x3;
	v5 =	vld [tilespmem:s17+$0x80C0]  }
0x168: {  	v4 =	vmov s11;
	v6 =	vld [tilespmem:s17+$0x188C0]  }
0x169: {  	s30 =	simm.s32 $0x0;
	v8 =	vand.u32 $0x7F, v4;
	v7 =	vld [tilespmem:s17+$0x8000]  }
0x16a: {  	v4 =	vmov s30;
	v10 =	vadd.s32 v0, v8;
	v9 =	vld [tilespmem:s17+$0x18800]  }
0x16b: {  	s7 =	simm.s32 $0x1;
	v11 =	vand.u32 $0x7C, v4;
	v12 =	vld [tilespmem:s17+$0x8040]  }
0x16c: {  	v4 =	vmov s7;
	v13 =	vadd.s32 v0, v11;
	v14 =	vld [tilespmem:s17+$0x18840]  }
0x16d: {  	v4 =	vand.u32 $0x7D, v4;
	v5 =	vadd.f32 v6, v5  }
0x16e: {  	s11 =	simm.s32 $0x2;
	v15 =	vadd.s32 v0, v4;
	v17 =	vld [tilespmem:s17+$0x18880]  }
0x16f: {  	v16 =	vmov s11;
	v6 =	vld [tilespmem:s17+$0x8080];
	v7 =	vadd.f32 v9, v7;
	[tilespmem:v10+s25+$0x0] =	vst.idx.msk $0xffff, v5  }
0x170: {  	v5 =	vand.u32 $0x7E, v16;
	v9 =	vld [tilespmem:s17+$0x80D0]  }
0x171: {  	[tilespmem:v13+s25+$0x0] =	vst.idx.msk $0xffff, v7;
	v7 =	vadd.f32 v14, v12;
	v10 =	vadd.s32 v0, v5;
	v12 =	vld [tilespmem:s17+$0x188D0]  }
0x172: {  	v13 =	vld [tilespmem:s17+$0x8010]  }
0x173: {  	v14 =	vld [tilespmem:s17+$0x18810];
	[tilespmem:v15+s25+$0x0] =	vst.idx.msk $0xffff, v7;
	v7 =	vadd.s32 v1, v8  }
0x174: {  	v6 =	vadd.f32 v17, v6;
	v15 =	vld [tilespmem:s17+$0x8050]  }
0x175: {  	v16 =	vadd.s32 v1, v11;
	v17 =	vld [tilespmem:s17+$0x18850]  }
0x176: {  	[tilespmem:v10+s25+$0x0] =	vst.idx.msk $0xffff, v6;
	v6 =	vadd.f32 v12, v9  }
0x177: {  	v10 =	vadd.s32 v1, v4;
	v9 =	vld [tilespmem:s17+$0x8090]  }
0x178: {  	v13 =	vadd.f32 v14, v13;
	v12 =	vld [tilespmem:s17+$0x18890];
	[tilespmem:v7+s25+$0x0] =	vst.idx.msk $0xffff, v6  }
0x179: {  	v6 =	vld [tilespmem:s17+$0x80E0]  }
0x17a: {  	v7 =	vadd.s32 v1, v5;
	[tilespmem:v16+s25+$0x0] =	vst.idx.msk $0xffff, v13;
	v13 =	vadd.f32 v17, v15;
	v14 =	vld [tilespmem:s17+$0x188E0]  }
0x17b: {  	v15 =	vld [tilespmem:s17+$0x8020]  }
0x17c: {  	v16 =	vld [tilespmem:s17+$0x18820];
	[tilespmem:v10+s25+$0x0] =	vst.idx.msk $0xffff, v13;
	v10 =	vadd.s32 v2, v8  }
0x17d: {  	v9 =	vadd.f32 v12, v9  }
0x17e: {  	v13 =	vadd.s32 v2, v11;
	v12 =	vld [tilespmem:s17+$0x8060]  }
0x17f: {  	v17 =	vld [tilespmem:s17+$0x18860];
	[tilespmem:v7+s25+$0x0] =	vst.idx.msk $0xffff, v9;
	v6 =	vadd.f32 v14, v6  }
0x180: {  	v9 =	vld [tilespmem:s17+$0x80A0]  }
0x181: {  	v15 =	vadd.f32 v16, v15;
	v14 =	vld [tilespmem:s17+$0x188A0];
	[tilespmem:v10+s25+$0x0] =	vst.idx.msk $0xffff, v6  }
0x182: {  	v6 =	vld [tilespmem:s17+$0x80F0]  }
0x183: {  	v7 =	vadd.s32 v2, v4;
	[tilespmem:v13+s25+$0x0] =	vst.idx.msk $0xffff, v15;
	v13 =	vld [tilespmem:s17+$0x188F0]  }
0x184: {  	v15 =	vadd.s32 v2, v5;
	v16 =	vld [tilespmem:s17+$0x8030]  }
0x185: {  	s6 =	simm.s32 $0x100;
	v18 =	vadd.s32 v3, v8;
	v10 =	vadd.f32 v17, v12;
	v17 =	vld [tilespmem:s17+$0x18830]  }
0x186: {  	v8 =	vadd.s32 v3, v11;
	v11 =	vld [tilespmem:s6+$0x8000]  }
0x187: {  	s30 =	simm.s32 $0x7;
	v12 =	vld [tilespmem:s6+$0x188C0];
	v9 =	vadd.f32 v14, v9  }
0x188: {  	[tilespmem:v7+s25+$0x0] =	vst.idx.msk $0xffff, v10;
	v10 =	vld [tilespmem:s6+$0x80C0];
	v14 =	vmov s30;
	v19 =	vadd.f32 v13, v6  }
0x189: {  	s7 =	simm.s32 $0x4;
	v7 =	vld [tilespmem:s17+$0x8070];
	[tilespmem:v15+s25+$0x0] =	vst.idx.msk $0xffff, v9;
	v6 =	vand.u32 $0x7F, v14  }
0x18a: {  	s29 =	simm.s32 $0x8;
	s11 =	simm.s32 $0x400;
	v15 =	vmov s7;
	v14 =	vld [tilespmem:s6+$0x18800];
	v9 =	vadd.f32 v17, v16;
	v13 =	vadd.s32 v0, v6;
	[tilespmem:v18+s25+$0x0] =	vst.idx.msk $0xffff, v19  }
.LBB2_11:
0x18b: {  	p1 =	slt.u32 s29, $0x7C;
	v15 =	vand.u32 $0x7C, v15;
	s30 =	sadd.s32 $0x1, s7;
	v16 =	vld [tilespmem:s6+$0x8040]  }
0x18c: {  	v17 =	vadd.s32 v0, v15;
	v18 =	vmov s30;
	v19 =	vld [tilespmem:s6+$0x18840];
	[tilespmem:v8+s25+$0x0] =	vst.idx.msk $0xffff, v9  }
0x18d: {  	s30 =	sadd.s32 $0x2, s7;
	s7 =	smov.u32 s29;
	v8 =	vand.u32 $0x7D, v18;
	v9 =	vld [tilespmem:s6+$0x8080];
	v10 =	vadd.f32 v12, v10  }
0x18e: {  	v18 =	vmov s30;
	v12 =	vadd.s32 v0, v8;
	v20 =	vld [tilespmem:s6+$0x18880]  }
0x18f: {  	v11 =	vadd.f32 v14, v11;
	v14 =	vand.u32 $0x7E, v18;
	[tilespmem:v13+s25+$0x0] =	vst.idx.msk $0xffff, v10;
	v10 =	vld [tilespmem:s17+$0x18870]  }
0x190: {  	v13 =	vadd.s32 v0, v14;
	v18 =	vld [tilespmem:s6+$0x80D0]  }
0x191: {  	[tilespmem:v17+s25+$0x0] =	vst.idx.msk $0xffff, v11;
	v11 =	vadd.f32 v19, v16;
	v16 =	vld [tilespmem:s6+$0x188D0];
	v17 =	vadd.s32 v3, v4;
	v4 =	vmov v8  }
0x192: {  	v8 =	vld [tilespmem:s6+$0x8010]  }
0x193: {  	v19 =	vld [tilespmem:s6+$0x18810];
	[tilespmem:v12+s25+$0x0] =	vst.idx.msk $0xffff, v11;
	v9 =	vadd.f32 v20, v9;
	v11 =	vadd.s32 v1, v6  }
0x194: {  	v12 =	vld [tilespmem:s6+$0x8050];
	v7 =	vadd.f32 v10, v7  }
0x195: {  	v10 =	vadd.s32 v1, v15;
	v20 =	vld [tilespmem:s6+$0x18850];
	[tilespmem:v13+s25+$0x0] =	vst.idx.msk $0xffff, v9  }
0x196: {  	v9 =	vld [tilespmem:s6+$0x8090];
	v13 =	vadd.f32 v16, v18;
	[tilespmem:v17+s25+$0x0] =	vst.idx.msk $0xffff, v7  }
0x197: {  	v7 =	vadd.s32 v1, v4;
	v16 =	vld [tilespmem:s6+$0x18890]  }
0x198: {  	v8 =	vadd.f32 v19, v8;
	[tilespmem:v11+s25+$0x0] =	vst.idx.msk $0xffff, v13;
	v11 =	vld [tilespmem:s17+$0x80B0]  }
0x199: {  	v13 =	vadd.s32 v1, v14;
	v17 =	vld [tilespmem:s6+$0x80E0]  }
0x19a: {  	[tilespmem:v10+s25+$0x0] =	vst.idx.msk $0xffff, v8;
	v8 =	vadd.f32 v20, v12;
	v10 =	vld [tilespmem:s6+$0x188E0]  }
0x19b: {  	v12 =	vld [tilespmem:s6+$0x8020]  }
0x19c: {  	v18 =	vld [tilespmem:s6+$0x18820];
	[tilespmem:v7+s25+$0x0] =	vst.idx.msk $0xffff, v8;
	v7 =	vadd.f32 v16, v9;
	v8 =	vadd.s32 v2, v6  }
0x19d: {  	v9 =	vld [tilespmem:s6+$0x8060]  }
0x19e: {  	v16 =	vadd.s32 v2, v15;
	v19 =	vld [tilespmem:s6+$0x18860];
	[tilespmem:v13+s25+$0x0] =	vst.idx.msk $0xffff, v7  }
0x19f: {  	v7 =	vld [tilespmem:s6+$0x80A0];
	v10 =	vadd.f32 v10, v17  }
0x1a0: {  	v13 =	vadd.s32 v2, v4;
	v17 =	vld [tilespmem:s6+$0x188A0]  }
0x1a1: {  	v12 =	vadd.f32 v18, v12;
	[tilespmem:v8+s25+$0x0] =	vst.idx.msk $0xffff, v10;
	v8 =	vld [tilespmem:s17+$0x188B0];
	s17 =	smov.u32 s6  }
0x1a2: {  	v18 =	vadd.s32 v2, v14;
	v20 =	vld [tilespmem:s17+$0x80F0]  }
0x1a3: {  	[tilespmem:v16+s25+$0x0] =	vst.idx.msk $0xffff, v12;
	v9 =	vadd.f32 v19, v9;
	v16 =	vld [tilespmem:s17+$0x188F0];
	v19 =	vadd.s32 v3, v5;
	v5 =	vmov v14  }
0x1a4: {  	v21 =	vld [tilespmem:s17+$0x8030]  }
0x1a5: {  	s11 =	sadd.s32 $0x400, s11;
	v22 =	vld [tilespmem:s17+$0x18830];
	[tilespmem:v13+s25+$0x0] =	vst.idx.msk $0xffff, v9;
	v9 =	vadd.f32 v17, v7;
	v17 =	vadd.s32 v3, v6  }
.Ltmp4:
0x1a6: {  	s6 =	sshra.s32 s11, $0x2;
	v7 =	vld [tilespmem:s17+$0x8070];
	v6 =	vadd.f32 v8, v11;
	(pc) =	sbr.rel @p1 .LBB2_11-.Ltmp4, $4  }
0x1a7: {  	s30 =	sadd.s32 $0x3, s29;
	v8 =	vadd.s32 v3, v15;
	v10 =	vld [tilespmem:s6+$0x80C0];
	[tilespmem:v18+s25+$0x0] =	vst.idx.msk $0xffff, v9  }
0x1a8: {  	v9 =	vmov s30;
	v12 =	vld [tilespmem:s6+$0x188C0];
	v16 =	vadd.f32 v16, v20;
	[tilespmem:v19+s25+$0x0] =	vst.idx.msk $0xffff, v6  }
0x1a9: {  	v6 =	vand.u32 $0x7F, v9;
	v11 =	vld [tilespmem:s6+$0x8000]  }
0x1aa: {  	s29 =	sadd.s32 $0x4, s29;
	v15 =	vmov s7;
	v13 =	vadd.s32 v0, v6;
	v14 =	vld [tilespmem:s6+$0x18800];
	v9 =	vadd.f32 v22, v21;
	[tilespmem:v17+s25+$0x0] =	vst.idx.msk $0xffff, v16  }
0x1ab: {  	v15 =	vand.u32 $0x7C, v15;
	s11 =	sadd.s32 $0x1, s7;
	v16 =	vld [tilespmem:s6+$0x8040]  }
0x1ac: {  	v19 =	vld [tilespmem:s6+$0x18840];
	v17 =	vadd.s32 v0, v15;
	v18 =	vmov s11  }
0x1ad: {  	s30 =	sadd.s32 $0x2, s7;
	v20 =	vld [tilespmem:s6+$0x8080];
	v18 =	vand.u32 $0x7D, v18;
	v10 =	vadd.f32 v12, v10  }
0x1ae: {  	v22 =	vld [tilespmem:s6+$0x18880];
	v21 =	vmov s30;
	v62 =	vadd.s32 v0, v18  }
0x1af: {  	v28 =	vld [tilespmem:s17+$0x18870];
	v63 =	vand.u32 $0x7E, v21;
	v11 =	vadd.f32 v14, v11;
	[tilespmem:v13+s25+$0x0] =	vst.idx.msk $0xffff, v10  }
0x1b0: {  	v29 =	vadd.s32 v0, v63;
	v30 =	vld [tilespmem:s6+$0x80D0]  }
0x1b1: {  	v31 =	vadd.f32 v19, v16;
	v32 =	vld [tilespmem:s6+$0x188D0];
	[tilespmem:v17+s25+$0x0] =	vst.idx.msk $0xffff, v11  }
0x1b2: {  	v17 =	vld [tilespmem:s6+$0x8010]  }
0x1b3: {  	v35 =	vadd.s32 v1, v6;
	v34 =	vadd.f32 v22, v20;
	v33 =	vld [tilespmem:s6+$0x18810];
	[tilespmem:v62+s25+$0x0] =	vst.idx.msk $0xffff, v31  }
0x1b4: {  	v36 =	vld [tilespmem:s6+$0x8050]  }
0x1b5: {  	v37 =	vadd.s32 v1, v15;
	[tilespmem:v29+s25+$0x0] =	vst.idx.msk $0xffff, v34;
	v23 =	vld [tilespmem:s6+$0x18850]  }
0x1b6: {  	v11 =	vld [tilespmem:s6+$0x8090];
	v38 =	vadd.f32 v32, v30  }
0x1b7: {  	v39 =	vadd.s32 v1, v18;
	v40 =	vld [tilespmem:s6+$0x18890]  }
0x1b8: {  	v41 =	vld [tilespmem:s17+$0x80B0];
	v17 =	vadd.f32 v33, v17;
	[tilespmem:v35+s25+$0x0] =	vst.idx.msk $0xffff, v38  }
0x1b9: {  	v42 =	vadd.s32 v1, v63;
	v43 =	vld [tilespmem:s6+$0x80E0]  }
0x1ba: {  	v45 =	vld [tilespmem:s6+$0x188E0];
	[tilespmem:v37+s25+$0x0] =	vst.idx.msk $0xffff, v17;
	v44 =	vadd.f32 v23, v36  }
0x1bb: {  	v22 =	vld [tilespmem:s6+$0x8020]  }
0x1bc: {  	v47 =	vadd.s32 v2, v6;
	v11 =	vadd.f32 v40, v11;
	v46 =	vld [tilespmem:s6+$0x18820];
	[tilespmem:v39+s25+$0x0] =	vst.idx.msk $0xffff, v44  }
0x1bd: {  	v17 =	vld [tilespmem:s6+$0x8060]  }
0x1be: {  	v48 =	vadd.s32 v2, v15;
	[tilespmem:v42+s25+$0x0] =	vst.idx.msk $0xffff, v11;
	v24 =	vld [tilespmem:s6+$0x18860]  }
0x1bf: {  	v11 =	vld [tilespmem:s6+$0x80A0];
	v49 =	vadd.f32 v45, v43  }
0x1c0: {  	v50 =	vadd.s32 v2, v18;
	v51 =	vld [tilespmem:s6+$0x188A0]  }
0x1c1: {  	v52 =	vld [tilespmem:s17+$0x188B0];
	v22 =	vadd.f32 v46, v22;
	[tilespmem:v47+s25+$0x0] =	vst.idx.msk $0xffff, v49  }
0x1c2: {  	v53 =	vadd.s32 v2, v63;
	v54 =	vld [tilespmem:s6+$0x80F0]  }
0x1c3: {  	v55 =	vld [tilespmem:s6+$0x188F0];
	[tilespmem:v48+s25+$0x0] =	vst.idx.msk $0xffff, v22;
	v17 =	vadd.f32 v24, v17  }
0x1c4: {  	v22 =	vld [tilespmem:s6+$0x8030]  }
0x1c5: {  	v11 =	vadd.f32 v51, v11;
	v56 =	vld [tilespmem:s6+$0x18830];
	[tilespmem:v50+s25+$0x0] =	vst.idx.msk $0xffff, v17  }
0x1c6: {  	v4 =	vadd.s32 v3, v4;
	v19 =	vld [tilespmem:s6+$0x8070]  }
0x1c7: {  	v5 =	vadd.s32 v3, v5;
	[tilespmem:v53+s25+$0x0] =	vst.idx.msk $0xffff, v11;
	v57 =	vld [tilespmem:s6+$0x18870]  }
0x1c8: {  	v58 =	vadd.s32 v3, v6;
	v16 =	vld [tilespmem:s6+$0x80B0]  }
0x1c9: {  	v59 =	vadd.s32 v3, v15;
	v7 =	vadd.f32 v28, v7;
	v60 =	vld [tilespmem:s6+$0x188B0]  }
0x1ca: {  	[tilespmem:v8+s25+$0x0] =	vst.idx.msk $0xffff, v9;
	v61 =	vadd.f32 v52, v41;
	v62 =	vadd.s32 v3, v18  }
0x1cb: {  	v63 =	vadd.s32 v3, v63;
	[tilespmem:v4+s25+$0x0] =	vst.idx.msk $0xffff, v7;
	v4 =	vadd.f32 v55, v54  }
0x1cc: {  	[tilespmem:v5+s25+$0x0] =	vst.idx.msk $0xffff, v61;
	v5 =	vadd.f32 v56, v22  }
0x1cd: {  	[tilespmem:v58+s25+$0x0] =	vst.idx.msk $0xffff, v4;
	v4 =	vadd.f32 v57, v19  }
0x1ce: {  	[tilespmem:v59+s25+$0x0] =	vst.idx.msk $0xffff, v5;
	v5 =	vadd.f32 v60, v16  }
0x1cf: {  	[tilespmem:v62+s25+$0x0] =	vst.idx.msk $0xffff, v4  }
0x1d0: {  	s7 =	sadd.s32 s15, s9;
	s11 =	simm.s32 $0x10400;
	[tilespmem:v63+s25+$0x0] =	vst.idx.msk $0xffff, v5  }
0x1d1: {  	[hbm4b:s7+s3] =	stream.linear.scatter [tilespmem:s11], [sflag:$0x7], $0x80, $0x38;
	[tilespmem:$0x1C800] =	vst v63  }
0x1d2: {  	s17 =	simm.s32 $0x10488;
	s30 =	sadd.s32 $0x10, s7  }
0x1d3: {  	[hbm4b:s30+s3] =	stream.linear.scatter [tilespmem:s17], [sflag:$0x7], $0x80, $0x38;
	[tilespmem:$0x1C800] =	vst v63  }
0x1d4: {  	s17 =	simm.s32 $0x10510;
	s30 =	sadd.s32 $0x20, s7  }
0x1d5: {  	[hbm4b:s30+s3] =	stream.linear.scatter [tilespmem:s17], [sflag:$0x7], $0x80, $0x38;
	[tilespmem:$0x1C800] =	vst v63  }
0x1d6: {  	s17 =	simm.s32 $0x10598;
	s30 =	sadd.s32 $0x30, s7  }
0x1d7: {  	[hbm4b:s30+s3] =	stream.linear.scatter [tilespmem:s17], [sflag:$0x7], $0x80, $0x38;
	[tilespmem:$0x1C800] =	vst v63  }
0x1d8: {  	s17 =	simm.s32 $0x10620;
	s30 =	sadd.s32 $0x40, s7  }
0x1d9: {  	[hbm4b:s30+s3] =	stream.linear.scatter [tilespmem:s17], [sflag:$0x7], $0x80, $0x38;
	[tilespmem:$0x1C800] =	vst v63  }
0x1da: {  	s29 =	sadd.s32 $0x70, s7;
	s17 =	simm.s32 $0x106A8;
	s30 =	sadd.s32 $0x50, s7  }
0x1db: {  	[hbm4b:s30+s3] =	stream.linear.scatter [tilespmem:s17], [sflag:$0x7], $0x80, $0x38;
	[tilespmem:$0x1C800] =	vst v63  }
0x1dc: {  	s6 =	simm.s32 $0x440;
	s17 =	simm.s32 $0x10730;
	s30 =	sadd.s32 $0x60, s7  }
0x1dd: {  	[hbm4b:s30+s3] =	stream.linear.scatter [tilespmem:s17], [sflag:$0x7], $0x80, $0x38;
	[tilespmem:$0x1C800] =	vst v63  }
0x1de: {  	s11 =	simm.s32 $0x2200;
	s7 =	sadd.s32 $0x200, s7;
	s17 =	simm.s32 $0x107B8  }
.LBB2_13:
0x1df: {  	[hbm4b:s29+s3] =	stream.linear.scatter [tilespmem:s17], [sflag:$0x7], $0x80, $0x38;
	[tilespmem:$0x1C800] =	vst v63  }
0x1e0: {  	s17 =	smov.u32 s6;
	s6 =	smov.u32 s11  }
0x1e1: {  	s30 =	sadd.s32 $0x1100, s11;
	s6 =	sshra.s32 s6, $0x2;
	s29 =	sadd.s32 $0x10400, s17  }
0x1e2: {  	[hbm4b:s7+s3] =	stream.linear.scatter [tilespmem:s29], [sflag:$0x7], $0x80, $0x38;
	[tilespmem:$0x1C800] =	vst v63  }
0x1e3: {  	p1 =	sne.s32 s11, $0x7700;
	s11 =	sadd.s32 $0x10488, s17;
	s29 =	sadd.s32 $0x10, s7  }
0x1e4: {  	[hbm4b:s29+s3] =	stream.linear.scatter [tilespmem:s11], [sflag:$0x7], $0x80, $0x38;
	[tilespmem:$0x1C800] =	vst v63  }
0x1e5: {  	s11 =	sadd.s32 $0x10510, s17;
	s29 =	sadd.s32 $0x20, s7  }
0x1e6: {  	[hbm4b:s29+s3] =	stream.linear.scatter [tilespmem:s11], [sflag:$0x7], $0x80, $0x38;
	[tilespmem:$0x1C800] =	vst v63  }
0x1e7: {  	s11 =	sadd.s32 $0x10598, s17;
	s29 =	sadd.s32 $0x30, s7  }
0x1e8: {  	[hbm4b:s29+s3] =	stream.linear.scatter [tilespmem:s11], [sflag:$0x7], $0x80, $0x38;
	[tilespmem:$0x1C800] =	vst v63  }
0x1e9: {  	s11 =	sadd.s32 $0x10620, s17;
	s29 =	sadd.s32 $0x40, s7  }
0x1ea: {  	[hbm4b:s29+s3] =	stream.linear.scatter [tilespmem:s11], [sflag:$0x7], $0x80, $0x38;
	[tilespmem:$0x1C800] =	vst v63  }
.Ltmp5:
0x1eb: {  	s11 =	sadd.s32 $0x106A8, s17;
	s29 =	sadd.s32 $0x50, s7;
	(pc) =	sbr.rel @p1 .LBB2_13-.Ltmp5, $4  }
0x1ec: {  	[hbm4b:s29+s3] =	stream.linear.scatter [tilespmem:s11], [sflag:$0x7], $0x80, $0x38;
	[tilespmem:$0x1C800] =	vst v63  }
0x1ed: {  	s11 =	sadd.s32 $0x10730, s17;
	s29 =	sadd.s32 $0x60, s7;
	s17 =	sadd.s32 $0x107B8, s17  }
0x1ee: {  	[hbm4b:s29+s3] =	stream.linear.scatter [tilespmem:s11], [sflag:$0x7], $0x80, $0x38;
	[tilespmem:$0x1C800] =	vst v63  }
0x1ef: {  	s29 =	sadd.s32 $0x70, s7;
	s7 =	sadd.s32 $0x200, s7;
	s11 =	smov.u32 s30  }
0x1f0: {  	[hbm4b:s29+s3] =	stream.linear.scatter [tilespmem:s17], [sflag:$0x7], $0x80, $0x38;
	[tilespmem:$0x1C800] =	vst v63  }
0x1f1: {  	s11 =	sadd.s32 $0x10400, s6  }
0x1f2: {  	[hbm4b:s7+s3] =	stream.linear.scatter [tilespmem:s11], [sflag:$0x7], $0x80, $0x38;
	[tilespmem:$0x1C800] =	vst v63  }
0x1f3: {  	s29 =	sadd.s32 $0x10488, s6;
	s30 =	sadd.s32 $0x10, s7  }
0x1f4: {  	[hbm4b:s30+s3] =	stream.linear.scatter [tilespmem:s29], [sflag:$0x7], $0x80, $0x38;
	[tilespmem:$0x1C800] =	vst v63  }
0x1f5: {  	s29 =	sadd.s32 $0x10510, s6;
	s30 =	sadd.s32 $0x20, s7  }
0x1f6: {  	[hbm4b:s30+s3] =	stream.linear.scatter [tilespmem:s29], [sflag:$0x7], $0x80, $0x38;
	[tilespmem:$0x1C800] =	vst v63  }
0x1f7: {  	s29 =	sadd.s32 $0x10598, s6;
	s30 =	sadd.s32 $0x30, s7  }
0x1f8: {  	[hbm4b:s30+s3] =	stream.linear.scatter [tilespmem:s29], [sflag:$0x7], $0x80, $0x38;
	[tilespmem:$0x1C800] =	vst v63  }
0x1f9: {  	s29 =	sadd.s32 $0x10620, s6;
	s30 =	sadd.s32 $0x40, s7  }
0x1fa: {  	[hbm4b:s30+s3] =	stream.linear.scatter [tilespmem:s29], [sflag:$0x7], $0x80, $0x38;
	[tilespmem:$0x1C800] =	vst v63  }
0x1fb: {  	s29 =	sadd.s32 $0x106A8, s6;
	s30 =	sadd.s32 $0x50, s7  }
0x1fc: {  	[hbm4b:s30+s3] =	stream.linear.scatter [tilespmem:s29], [sflag:$0x7], $0x80, $0x38;
	[tilespmem:$0x1C800] =	vst v63  }
0x1fd: {  	s29 =	sadd.s32 $0x10730, s6;
	s30 =	sadd.s32 $0x60, s7  }
0x1fe: {  	[hbm4b:s30+s3] =	stream.linear.scatter [tilespmem:s29], [sflag:$0x7], $0x80, $0x38;
	[tilespmem:$0x1C800] =	vst v63  }
0x1ff: {  	s29 =	sadd.s32 $0x107B8, s6;
	s30 =	sadd.s32 $0x70, s7;
	s6 =	simm.s32 @!p0 $0x6  }
0x200: {  	[hbm4b:s30+s3] =	stream.linear.scatter [tilespmem:s29], [sflag:$0x7], $0x80, $0x38;
	[tilespmem:$0x1C800] =	vst v63  }
0x201: {  	_ =	swait.ge @!p0 [sflag:s6], $0x2000  }
0x202: {  	s11 =	simm.s32 @!p0 $0x6000;
	[sflag:s6] =	ssyncset.done @!p0 $0x0  }
0x203: {  	s7 =	simm.s32 @!p0 $0x80;
	[sflag:s6] =	ssyncadd.s32 @!p0 $0xFFFFE000;
	s6 =	sor.u32 @!p0 $0x400, s16  }
0x204: {  	[tilespmem:s11], [sflag:$0x2] =	stream.indirect.gather @!p0 [hbm4b:s4+s7], $0x40, s6, s7, $0xb8;
	[tilespmem:$0x1C800] =	vst v63  }
0x205: {  	_ =	swait.ge [sflag:s26], $0x2000  }
0x206: {  	[sflag:s26] =	ssyncset.done $0x0  }
0x207: {  	s16 =	simm.s32 $0x0;
	[sflag:s26] =	ssyncadd.s32 $0xFFFFE000  }
0x208: {  	s7 =	simm.s32 $0x3;
	v5 =	vld [tilespmem:s16+$0xA0C0]  }
0x209: {  	v4 =	vmov s7;
	v6 =	vld [tilespmem:s16+$0x1A8C0]  }
0x20a: {  	s11 =	simm.s32 $0x0;
	v8 =	vand.u32 $0x7F, v4;
	v7 =	vld [tilespmem:s16+$0xA000]  }
0x20b: {  	v4 =	vmov s11;
	v10 =	vadd.s32 v0, v8;
	v9 =	vld [tilespmem:s16+$0x1A800]  }
0x20c: {  	s17 =	simm.s32 $0x1;
	v11 =	vand.u32 $0x7C, v4;
	v12 =	vld [tilespmem:s16+$0xA040]  }
0x20d: {  	v4 =	vmov s17;
	v13 =	vadd.s32 v0, v11;
	v14 =	vld [tilespmem:s16+$0x1A840]  }
0x20e: {  	v4 =	vand.u32 $0x7D, v4;
	v5 =	vadd.f32 v6, v5  }
0x20f: {  	s29 =	simm.s32 $0x2;
	v17 =	vld [tilespmem:s16+$0x1A880];
	v15 =	vadd.s32 v0, v4  }
0x210: {  	v16 =	vmov s29;
	v6 =	vld [tilespmem:s16+$0xA080];
	v7 =	vadd.f32 v9, v7;
	[tilespmem:v10+s28+$0x0] =	vst.idx.msk $0xffff, v5  }
0x211: {  	v5 =	vand.u32 $0x7E, v16;
	v9 =	vld [tilespmem:s16+$0xA0D0]  }
0x212: {  	[tilespmem:v13+s28+$0x0] =	vst.idx.msk $0xffff, v7;
	v7 =	vadd.f32 v14, v12;
	v10 =	vadd.s32 v0, v5;
	v12 =	vld [tilespmem:s16+$0x1A8D0]  }
0x213: {  	v13 =	vld [tilespmem:s16+$0xA010]  }
0x214: {  	v14 =	vld [tilespmem:s16+$0x1A810];
	[tilespmem:v15+s28+$0x0] =	vst.idx.msk $0xffff, v7;
	v7 =	vadd.s32 v1, v8  }
0x215: {  	v6 =	vadd.f32 v17, v6;
	v15 =	vld [tilespmem:s16+$0xA050]  }
0x216: {  	v16 =	vadd.s32 v1, v11;
	v17 =	vld [tilespmem:s16+$0x1A850]  }
0x217: {  	[tilespmem:v10+s28+$0x0] =	vst.idx.msk $0xffff, v6;
	v6 =	vadd.f32 v12, v9  }
0x218: {  	v10 =	vadd.s32 v1, v4;
	v9 =	vld [tilespmem:s16+$0xA090]  }
0x219: {  	v13 =	vadd.f32 v14, v13;
	v12 =	vld [tilespmem:s16+$0x1A890];
	[tilespmem:v7+s28+$0x0] =	vst.idx.msk $0xffff, v6  }
0x21a: {  	v6 =	vld [tilespmem:s16+$0xA0E0]  }
0x21b: {  	v7 =	vadd.s32 v1, v5;
	[tilespmem:v16+s28+$0x0] =	vst.idx.msk $0xffff, v13;
	v13 =	vadd.f32 v17, v15;
	v14 =	vld [tilespmem:s16+$0x1A8E0]  }
0x21c: {  	v15 =	vld [tilespmem:s16+$0xA020]  }
0x21d: {  	v16 =	vld [tilespmem:s16+$0x1A820];
	[tilespmem:v10+s28+$0x0] =	vst.idx.msk $0xffff, v13;
	v10 =	vadd.s32 v2, v8  }
0x21e: {  	v9 =	vadd.f32 v12, v9  }
0x21f: {  	v13 =	vadd.s32 v2, v11;
	v12 =	vld [tilespmem:s16+$0xA060]  }
0x220: {  	v17 =	vld [tilespmem:s16+$0x1A860];
	[tilespmem:v7+s28+$0x0] =	vst.idx.msk $0xffff, v9;
	v6 =	vadd.f32 v14, v6  }
0x221: {  	v9 =	vld [tilespmem:s16+$0xA0A0]  }
0x222: {  	v15 =	vadd.f32 v16, v15;
	v14 =	vld [tilespmem:s16+$0x1A8A0];
	[tilespmem:v10+s28+$0x0] =	vst.idx.msk $0xffff, v6  }
0x223: {  	v6 =	vld [tilespmem:s16+$0xA0F0]  }
0x224: {  	v7 =	vadd.s32 v2, v4;
	[tilespmem:v13+s28+$0x0] =	vst.idx.msk $0xffff, v15;
	v13 =	vld [tilespmem:s16+$0x1A8F0]  }
0x225: {  	v15 =	vadd.s32 v2, v5;
	v16 =	vld [tilespmem:s16+$0xA030]  }
0x226: {  	s6 =	simm.s32 $0x100;
	v18 =	vadd.s32 v3, v8;
	v10 =	vadd.f32 v17, v12;
	v17 =	vld [tilespmem:s16+$0x1A830]  }
0x227: {  	v8 =	vadd.s32 v3, v11;
	v11 =	vld [tilespmem:s6+$0xA000]  }
0x228: {  	s30 =	simm.s32 $0x7;
	v12 =	vld [tilespmem:s6+$0x1A8C0];
	v9 =	vadd.f32 v14, v9  }
0x229: {  	[tilespmem:v7+s28+$0x0] =	vst.idx.msk $0xffff, v10;
	v10 =	vld [tilespmem:s6+$0xA0C0];
	v14 =	vmov s30;
	v19 =	vadd.f32 v13, v6  }
0x22a: {  	s7 =	simm.s32 $0x4;
	v7 =	vld [tilespmem:s16+$0xA070];
	[tilespmem:v15+s28+$0x0] =	vst.idx.msk $0xffff, v9;
	v6 =	vand.u32 $0x7F, v14  }
0x22b: {  	s11 =	simm.s32 $0x400;
	s17 =	simm.s32 $0x8;
	v15 =	vmov s7;
	v14 =	vld [tilespmem:s6+$0x1A800];
	v9 =	vadd.f32 v17, v16;
	v13 =	vadd.s32 v0, v6;
	[tilespmem:v18+s28+$0x0] =	vst.idx.msk $0xffff, v19  }
.LBB2_15:
0x22c: {  	p0 =	slt.u32 s17, $0x7C;
	v15 =	vand.u32 $0x7C, v15;
	s29 =	sadd.s32 $0x1, s7;
	v16 =	vld [tilespmem:s6+$0xA040]  }
0x22d: {  	v17 =	vadd.s32 v0, v15;
	v18 =	vmov s29;
	v19 =	vld [tilespmem:s6+$0x1A840];
	[tilespmem:v8+s28+$0x0] =	vst.idx.msk $0xffff, v9  }
0x22e: {  	s29 =	sadd.s32 $0x2, s7;
	s7 =	smov.u32 s17;
	v8 =	vand.u32 $0x7D, v18;
	v9 =	vld [tilespmem:s6+$0xA080];
	v10 =	vadd.f32 v12, v10  }
0x22f: {  	v18 =	vmov s29;
	v12 =	vadd.s32 v0, v8;
	v20 =	vld [tilespmem:s6+$0x1A880]  }
0x230: {  	v11 =	vadd.f32 v14, v11;
	v14 =	vand.u32 $0x7E, v18;
	[tilespmem:v13+s28+$0x0] =	vst.idx.msk $0xffff, v10;
	v10 =	vld [tilespmem:s16+$0x1A870]  }
0x231: {  	v13 =	vadd.s32 v0, v14;
	v18 =	vld [tilespmem:s6+$0xA0D0]  }
0x232: {  	[tilespmem:v17+s28+$0x0] =	vst.idx.msk $0xffff, v11;
	v11 =	vadd.f32 v19, v16;
	v16 =	vld [tilespmem:s6+$0x1A8D0];
	v17 =	vadd.s32 v3, v4;
	v4 =	vmov v8  }
0x233: {  	v8 =	vld [tilespmem:s6+$0xA010]  }
0x234: {  	v19 =	vld [tilespmem:s6+$0x1A810];
	[tilespmem:v12+s28+$0x0] =	vst.idx.msk $0xffff, v11;
	v9 =	vadd.f32 v20, v9;
	v11 =	vadd.s32 v1, v6  }
0x235: {  	v12 =	vld [tilespmem:s6+$0xA050];
	v7 =	vadd.f32 v10, v7  }
0x236: {  	v10 =	vadd.s32 v1, v15;
	v20 =	vld [tilespmem:s6+$0x1A850];
	[tilespmem:v13+s28+$0x0] =	vst.idx.msk $0xffff, v9  }
0x237: {  	v9 =	vld [tilespmem:s6+$0xA090];
	v13 =	vadd.f32 v16, v18;
	[tilespmem:v17+s28+$0x0] =	vst.idx.msk $0xffff, v7  }
0x238: {  	v7 =	vadd.s32 v1, v4;
	v16 =	vld [tilespmem:s6+$0x1A890]  }
0x239: {  	v8 =	vadd.f32 v19, v8;
	[tilespmem:v11+s28+$0x0] =	vst.idx.msk $0xffff, v13;
	v11 =	vld [tilespmem:s16+$0xA0B0]  }
0x23a: {  	v13 =	vadd.s32 v1, v14;
	v17 =	vld [tilespmem:s6+$0xA0E0]  }
0x23b: {  	[tilespmem:v10+s28+$0x0] =	vst.idx.msk $0xffff, v8;
	v8 =	vadd.f32 v20, v12;
	v10 =	vld [tilespmem:s6+$0x1A8E0]  }
0x23c: {  	v12 =	vld [tilespmem:s6+$0xA020]  }
0x23d: {  	v18 =	vld [tilespmem:s6+$0x1A820];
	[tilespmem:v7+s28+$0x0] =	vst.idx.msk $0xffff, v8;
	v7 =	vadd.f32 v16, v9;
	v8 =	vadd.s32 v2, v6  }
0x23e: {  	v9 =	vld [tilespmem:s6+$0xA060]  }
0x23f: {  	v16 =	vadd.s32 v2, v15;
	v19 =	vld [tilespmem:s6+$0x1A860];
	[tilespmem:v13+s28+$0x0] =	vst.idx.msk $0xffff, v7  }
0x240: {  	v7 =	vld [tilespmem:s6+$0xA0A0];
	v10 =	vadd.f32 v10, v17  }
0x241: {  	v13 =	vadd.s32 v2, v4;
	v17 =	vld [tilespmem:s6+$0x1A8A0]  }
0x242: {  	v12 =	vadd.f32 v18, v12;
	[tilespmem:v8+s28+$0x0] =	vst.idx.msk $0xffff, v10;
	v8 =	vld [tilespmem:s16+$0x1A8B0];
	s16 =	smov.u32 s6  }
0x243: {  	v18 =	vadd.s32 v2, v14;
	v20 =	vld [tilespmem:s16+$0xA0F0]  }
0x244: {  	[tilespmem:v16+s28+$0x0] =	vst.idx.msk $0xffff, v12;
	v9 =	vadd.f32 v19, v9;
	v16 =	vld [tilespmem:s16+$0x1A8F0];
	v19 =	vadd.s32 v3, v5;
	v5 =	vmov v14  }
0x245: {  	v21 =	vld [tilespmem:s16+$0xA030]  }
0x246: {  	s11 =	sadd.s32 $0x400, s11;
	v22 =	vld [tilespmem:s16+$0x1A830];
	[tilespmem:v13+s28+$0x0] =	vst.idx.msk $0xffff, v9;
	v9 =	vadd.f32 v17, v7;
	v17 =	vadd.s32 v3, v6  }
.Ltmp6:
0x247: {  	s6 =	sshra.s32 s11, $0x2;
	v7 =	vld [tilespmem:s16+$0xA070];
	v6 =	vadd.f32 v8, v11;
	(pc) =	sbr.rel @p0 .LBB2_15-.Ltmp6, $4  }
0x248: {  	s29 =	sadd.s32 $0x3, s17;
	v8 =	vadd.s32 v3, v15;
	v10 =	vld [tilespmem:s6+$0xA0C0];
	[tilespmem:v18+s28+$0x0] =	vst.idx.msk $0xffff, v9  }
0x249: {  	v9 =	vmov s29;
	v12 =	vld [tilespmem:s6+$0x1A8C0];
	v16 =	vadd.f32 v16, v20;
	[tilespmem:v19+s28+$0x0] =	vst.idx.msk $0xffff, v6  }
0x24a: {  	v6 =	vand.u32 $0x7F, v9;
	v11 =	vld [tilespmem:s6+$0xA000]  }
0x24b: {  	s17 =	sadd.s32 $0x4, s17;
	v15 =	vmov s7;
	v13 =	vadd.s32 v0, v6;
	v14 =	vld [tilespmem:s6+$0x1A800];
	v9 =	vadd.f32 v22, v21;
	[tilespmem:v17+s28+$0x0] =	vst.idx.msk $0xffff, v16  }
0x24c: {  	v15 =	vand.u32 $0x7C, v15;
	s11 =	sadd.s32 $0x1, s7;
	v16 =	vld [tilespmem:s6+$0xA040]  }
0x24d: {  	v19 =	vld [tilespmem:s6+$0x1A840];
	v17 =	vadd.s32 v0, v15;
	v18 =	vmov s11  }
0x24e: {  	s29 =	sadd.s32 $0x2, s7;
	v20 =	vld [tilespmem:s6+$0xA080];
	v18 =	vand.u32 $0x7D, v18;
	v10 =	vadd.f32 v12, v10  }
0x24f: {  	v22 =	vld [tilespmem:s6+$0x1A880];
	v21 =	vmov s29;
	v62 =	vadd.s32 v0, v18  }
0x250: {  	v28 =	vld [tilespmem:s16+$0x1A870];
	v63 =	vand.u32 $0x7E, v21;
	v11 =	vadd.f32 v14, v11;
	[tilespmem:v13+s28+$0x0] =	vst.idx.msk $0xffff, v10  }
0x251: {  	v29 =	vadd.s32 v0, v63;
	v30 =	vld [tilespmem:s6+$0xA0D0]  }
0x252: {  	v31 =	vadd.f32 v19, v16;
	v32 =	vld [tilespmem:s6+$0x1A8D0];
	[tilespmem:v17+s28+$0x0] =	vst.idx.msk $0xffff, v11  }
0x253: {  	v17 =	vld [tilespmem:s6+$0xA010]  }
0x254: {  	v35 =	vadd.s32 v1, v6;
	v34 =	vadd.f32 v22, v20;
	v33 =	vld [tilespmem:s6+$0x1A810];
	[tilespmem:v62+s28+$0x0] =	vst.idx.msk $0xffff, v31  }
0x255: {  	v36 =	vld [tilespmem:s6+$0xA050]  }
0x256: {  	v37 =	vadd.s32 v1, v15;
	[tilespmem:v29+s28+$0x0] =	vst.idx.msk $0xffff, v34;
	v23 =	vld [tilespmem:s6+$0x1A850]  }
0x257: {  	v11 =	vld [tilespmem:s6+$0xA090];
	v38 =	vadd.f32 v32, v30  }
0x258: {  	v39 =	vadd.s32 v1, v18;
	v40 =	vld [tilespmem:s6+$0x1A890]  }
0x259: {  	v41 =	vld [tilespmem:s16+$0xA0B0];
	v17 =	vadd.f32 v33, v17;
	[tilespmem:v35+s28+$0x0] =	vst.idx.msk $0xffff, v38  }
0x25a: {  	v42 =	vadd.s32 v1, v63;
	v43 =	vld [tilespmem:s6+$0xA0E0]  }
0x25b: {  	v45 =	vld [tilespmem:s6+$0x1A8E0];
	[tilespmem:v37+s28+$0x0] =	vst.idx.msk $0xffff, v17;
	v44 =	vadd.f32 v23, v36  }
0x25c: {  	v22 =	vld [tilespmem:s6+$0xA020]  }
0x25d: {  	v47 =	vadd.s32 v2, v6;
	v11 =	vadd.f32 v40, v11;
	v46 =	vld [tilespmem:s6+$0x1A820];
	[tilespmem:v39+s28+$0x0] =	vst.idx.msk $0xffff, v44  }
0x25e: {  	v17 =	vld [tilespmem:s6+$0xA060]  }
0x25f: {  	v48 =	vadd.s32 v2, v15;
	[tilespmem:v42+s28+$0x0] =	vst.idx.msk $0xffff, v11;
	v24 =	vld [tilespmem:s6+$0x1A860]  }
0x260: {  	v11 =	vld [tilespmem:s6+$0xA0A0];
	v49 =	vadd.f32 v45, v43  }
0x261: {  	v50 =	vadd.s32 v2, v18;
	v51 =	vld [tilespmem:s6+$0x1A8A0]  }
0x262: {  	v52 =	vld [tilespmem:s16+$0x1A8B0];
	v22 =	vadd.f32 v46, v22;
	[tilespmem:v47+s28+$0x0] =	vst.idx.msk $0xffff, v49  }
0x263: {  	v53 =	vadd.s32 v2, v63;
	v54 =	vld [tilespmem:s6+$0xA0F0]  }
0x264: {  	v55 =	vld [tilespmem:s6+$0x1A8F0];
	[tilespmem:v48+s28+$0x0] =	vst.idx.msk $0xffff, v22;
	v17 =	vadd.f32 v24, v17  }
0x265: {  	v22 =	vld [tilespmem:s6+$0xA030]  }
0x266: {  	v11 =	vadd.f32 v51, v11;
	v56 =	vld [tilespmem:s6+$0x1A830];
	[tilespmem:v50+s28+$0x0] =	vst.idx.msk $0xffff, v17  }
0x267: {  	v4 =	vadd.s32 v3, v4;
	v19 =	vld [tilespmem:s6+$0xA070]  }
0x268: {  	v5 =	vadd.s32 v3, v5;
	[tilespmem:v53+s28+$0x0] =	vst.idx.msk $0xffff, v11;
	v57 =	vld [tilespmem:s6+$0x1A870]  }
0x269: {  	v58 =	vadd.s32 v3, v6;
	v16 =	vld [tilespmem:s6+$0xA0B0]  }
0x26a: {  	v59 =	vadd.s32 v3, v15;
	v7 =	vadd.f32 v28, v7;
	v60 =	vld [tilespmem:s6+$0x1A8B0]  }
0x26b: {  	[tilespmem:v8+s28+$0x0] =	vst.idx.msk $0xffff, v9;
	v61 =	vadd.f32 v52, v41;
	v62 =	vadd.s32 v3, v18  }
0x26c: {  	v63 =	vadd.s32 v3, v63;
	[tilespmem:v4+s28+$0x0] =	vst.idx.msk $0xffff, v7;
	v4 =	vadd.f32 v55, v54  }
0x26d: {  	[tilespmem:v5+s28+$0x0] =	vst.idx.msk $0xffff, v61;
	v5 =	vadd.f32 v56, v22  }
0x26e: {  	[tilespmem:v58+s28+$0x0] =	vst.idx.msk $0xffff, v4;
	v4 =	vadd.f32 v57, v19  }
0x26f: {  	[tilespmem:v59+s28+$0x0] =	vst.idx.msk $0xffff, v5;
	v5 =	vadd.f32 v60, v16  }
0x270: {  	[tilespmem:v62+s28+$0x0] =	vst.idx.msk $0xffff, v4  }
0x271: {  	s7 =	sadd.s32 s15, s10;
	s30 =	simm.s32 $0x12600;
	[tilespmem:v63+s28+$0x0] =	vst.idx.msk $0xffff, v5  }
0x272: {  	[hbm4b:s7+s3] =	stream.linear.scatter [tilespmem:s30], [sflag:$0x8], $0x80, $0x38;
	[tilespmem:$0x1C800] =	vst v63  }
0x273: {  	s11 =	simm.s32 $0x12688;
	s15 =	sadd.s32 $0x10, s7  }
0x274: {  	[hbm4b:s15+s3] =	stream.linear.scatter [tilespmem:s11], [sflag:$0x8], $0x80, $0x38;
	[tilespmem:$0x1C800] =	vst v63  }
0x275: {  	s16 =	simm.s32 $0x12710;
	s17 =	sadd.s32 $0x20, s7;
	s29 =	simm.s32 $0x12798  }
0x276: {  	[hbm4b:s17+s3] =	stream.linear.scatter [tilespmem:s16], [sflag:$0x8], $0x80, $0x38;
	[tilespmem:$0x1C800] =	vst v63  }
0x277: {  	s6 =	simm.s32 $0x440;
	s30 =	sadd.s32 $0x30, s7;
	s11 =	simm.s32 $0x12820  }
0x278: {  	[hbm4b:s30+s3] =	stream.linear.scatter [tilespmem:s29], [sflag:$0x8], $0x80, $0x38;
	[tilespmem:$0x1C800] =	vst v63  }
0x279: {  	s15 =	sadd.s32 $0x40, s7;
	s16 =	simm.s32 $0x128A8;
	s17 =	sadd.s32 $0x50, s7  }
0x27a: {  	[hbm4b:s15+s3] =	stream.linear.scatter [tilespmem:s11], [sflag:$0x8], $0x80, $0x38;
	[tilespmem:$0x1C800] =	vst v63  }
0x27b: {  	s29 =	simm.s32 $0x12930;
	s30 =	sadd.s32 $0x60, s7;
	s11 =	simm.s32 $0x2200  }
0x27c: {  	[hbm4b:s17+s3] =	stream.linear.scatter [tilespmem:s16], [sflag:$0x8], $0x80, $0x38;
	[tilespmem:$0x1C800] =	vst v63  }
0x27d: {  	s15 =	simm.s32 $0x129B8;
	s16 =	sadd.s32 $0x70, s7;
	s7 =	sadd.s32 $0x200, s7  }
0x27e: {  	[hbm4b:s30+s3] =	stream.linear.scatter [tilespmem:s29], [sflag:$0x8], $0x80, $0x38;
	[tilespmem:$0x1C800] =	vst v63  }
.LBB2_17:
0x27f: {  	[hbm4b:s16+s3] =	stream.linear.scatter [tilespmem:s15], [sflag:$0x8], $0x80, $0x38;
	[tilespmem:$0x1C800] =	vst v63  }
0x280: {  	s15 =	smov.u32 s6;
	s6 =	smov.u32 s11  }
0x281: {  	s17 =	sadd.s32 $0x1100, s11;
	s6 =	sshra.s32 s6, $0x2;
	s16 =	sadd.s32 $0x12600, s15  }
0x282: {  	[hbm4b:s7+s3] =	stream.linear.scatter [tilespmem:s16], [sflag:$0x8], $0x80, $0x38;
	[tilespmem:$0x1C800] =	vst v63  }
0x283: {  	p0 =	sne.s32 s11, $0x7700;
	s11 =	sadd.s32 $0x12688, s15;
	s16 =	sadd.s32 $0x10, s7  }
0x284: {  	[hbm4b:s16+s3] =	stream.linear.scatter [tilespmem:s11], [sflag:$0x8], $0x80, $0x38;
	[tilespmem:$0x1C800] =	vst v63  }
0x285: {  	s11 =	sadd.s32 $0x12710, s15;
	s16 =	sadd.s32 $0x20, s7  }
0x286: {  	[hbm4b:s16+s3] =	stream.linear.scatter [tilespmem:s11], [sflag:$0x8], $0x80, $0x38;
	[tilespmem:$0x1C800] =	vst v63  }
0x287: {  	s11 =	sadd.s32 $0x12798, s15;
	s16 =	sadd.s32 $0x30, s7  }
0x288: {  	[hbm4b:s16+s3] =	stream.linear.scatter [tilespmem:s11], [sflag:$0x8], $0x80, $0x38;
	[tilespmem:$0x1C800] =	vst v63  }
0x289: {  	s11 =	sadd.s32 $0x12820, s15;
	s16 =	sadd.s32 $0x40, s7  }
0x28a: {  	[hbm4b:s16+s3] =	stream.linear.scatter [tilespmem:s11], [sflag:$0x8], $0x80, $0x38;
	[tilespmem:$0x1C800] =	vst v63  }
.Ltmp7:
0x28b: {  	s11 =	sadd.s32 $0x128A8, s15;
	s16 =	sadd.s32 $0x50, s7;
	(pc) =	sbr.rel @p0 .LBB2_17-.Ltmp7, $4  }
0x28c: {  	[hbm4b:s16+s3] =	stream.linear.scatter [tilespmem:s11], [sflag:$0x8], $0x80, $0x38;
	[tilespmem:$0x1C800] =	vst v63  }
0x28d: {  	s11 =	sadd.s32 $0x12930, s15;
	s16 =	sadd.s32 $0x60, s7;
	s15 =	sadd.s32 $0x129B8, s15  }
0x28e: {  	[hbm4b:s16+s3] =	stream.linear.scatter [tilespmem:s11], [sflag:$0x8], $0x80, $0x38;
	[tilespmem:$0x1C800] =	vst v63  }
0x28f: {  	s16 =	sadd.s32 $0x70, s7;
	s7 =	sadd.s32 $0x200, s7;
	s11 =	smov.u32 s17  }
0x290: {  	[hbm4b:s16+s3] =	stream.linear.scatter [tilespmem:s15], [sflag:$0x8], $0x80, $0x38;
	[tilespmem:$0x1C800] =	vst v63  }
0x291: {  	s11 =	sadd.s32 $0x12600, s6  }
0x292: {  	[hbm4b:s7+s3] =	stream.linear.scatter [tilespmem:s11], [sflag:$0x8], $0x80, $0x38;
	[tilespmem:$0x1C800] =	vst v63  }
0x293: {  	s29 =	sadd.s32 $0x12688, s6;
	s30 =	sadd.s32 $0x10, s7  }
0x294: {  	[hbm4b:s30+s3] =	stream.linear.scatter [tilespmem:s29], [sflag:$0x8], $0x80, $0x38;
	[tilespmem:$0x1C800] =	vst v63  }
0x295: {  	s16 =	sadd.s32 $0x12710, s6;
	s17 =	sadd.s32 $0x20, s7  }
0x296: {  	[hbm4b:s17+s3] =	stream.linear.scatter [tilespmem:s16], [sflag:$0x8], $0x80, $0x38;
	[tilespmem:$0x1C800] =	vst v63  }
0x297: {  	s29 =	sadd.s32 $0x12798, s6;
	s30 =	sadd.s32 $0x30, s7  }
0x298: {  	[hbm4b:s30+s3] =	stream.linear.scatter [tilespmem:s29], [sflag:$0x8], $0x80, $0x38;
	[tilespmem:$0x1C800] =	vst v63  }
0x299: {  	s12 =	sadd.s32 $0x1, s12;
	s16 =	sadd.s32 $0x12820, s6;
	s17 =	sadd.s32 $0x40, s7  }
0x29a: {  	[hbm4b:s17+s3] =	stream.linear.scatter [tilespmem:s16], [sflag:$0x8], $0x80, $0x38;
	[tilespmem:$0x1C800] =	vst v63  }
0x29b: {  	p0 =	sne.s32 s12, $0x20;
	s29 =	sadd.s32 $0x128A8, s6;
	s30 =	sadd.s32 $0x50, s7  }
0x29c: {  	[hbm4b:s30+s3] =	stream.linear.scatter [tilespmem:s29], [sflag:$0x8], $0x80, $0x38;
	[tilespmem:$0x1C800] =	vst v63  }
.Ltmp8:
0x29d: {  	_ = 	snop;
	(pc) =	sbr.rel @p0 .LBB2_2-.Ltmp8, $4  }
0x29e: {  	s16 =	sadd.s32 $0x12930, s6;
	s17 =	sadd.s32 $0x60, s7  }
0x29f: {  	[hbm4b:s17+s3] =	stream.linear.scatter [tilespmem:s16], [sflag:$0x8], $0x80, $0x38;
	[tilespmem:$0x1C800] =	vst v63  }
0x2a0: {  	s29 =	sadd.s32 $0x129B8, s6;
	s30 =	sadd.s32 $0x70, s7  }
0x2a1: {  	[hbm4b:s30+s3] =	stream.linear.scatter [tilespmem:s29], [sflag:$0x8], $0x80, $0x38;
	[tilespmem:$0x1C800] =	vst v63  }
0x2a2: {  	s6 =	simm.s32 $0x5  }
0x2a3: {  	_ =	swait.ge [sflag:s6], $0x2000  }
0x2a4: {  	[sflag:s6] =	ssyncset.done $0x0  }
0x2a5: {  	s29 =	simm.s32 $0x6;
	[sflag:s6] =	ssyncadd.s32 $0xFFFFE000  }
0x2a6: {  	_ =	swait.ge [sflag:s29], $0x2000  }
0x2a7: {  	[sflag:s29] =	ssyncset.done $0x0  }
0x2a8: {  	[sflag:s29] =	ssyncadd.s32 $0xFFFFE000  }
0x2a9: {  	_ =	swait.ge [sflag:s31], $0x2000  }
0x2aa: {  	[sflag:s31] =	ssyncset.done $0x0  }
0x2ab: {  	[sflag:s31] =	ssyncadd.s32 $0xFFFFE000  }
0x2ac: {  	_ =	swait.ge [sflag:s0], $0x2000  }
0x2ad: {  	s2 =	sadd.s32 $0x1, s2;
	s30 =	rddreg [dreg:$0x6]  }
0x2ae: {  	p0 =	sne.s32 s2, s30  }
.Ltmp9:
0x2af: {  	_ = 	snop;
	(pc) =	sbr.rel @p0 .LBB2_1-.Ltmp9, $3  }
0x2b0: {  	_ =	sdelay $0x1  }
0x2b1: {  	[sflag:s0] =	ssyncset.done $0x0  }
0x2b2: {  	[sflag:s0] =	ssyncadd.s32 $0xFFFFE000  }
0x2b3: {  	_ =	sfence.sel $0x180000  }
0x2b4: {  	[bflag:$0x0] =	sbarrier.arrive $0xFFFF  }
0x2b5: {  	_ =	strace $0x90000047  }
0x2b6: {  	s0 =	stileid.u32;
	[bflag:$0x2] =	sbarrier.arrive $0xFFFF  }
0x2b7: {  	p0 =	sne.s32 s0, $0x0;
	s0 =	rddreg [dreg:$0x3]  }
0x2b8: {  	s0 =	sadd.s32 @!p0 $0x100000, s0  }
0x2b9: {  	[sflag:s0] =	ssyncadd.tile.s32 @!p0 $0x1;
	_ =	shalt  }
.Lfunc_end2:
_tile_overlayer_lowered:
.L_overlay_start_2:
0x2ba: {  	(tag) =	ssettag $0x2  }
0x2bb: {  	s0 =	rddreg [dreg:$0x0];
	s2 =	stileid.u32  }
0x2bc: {  	s1 =	rddreg [dreg:$0x1];
	p0 =	sne.s32 s2, $0x0  }
0x2bd: {  	s3 =	rddreg [dreg:$0x2];
	[bflag:$0x3] =	sbarrier.arrive $0xFFFF;
	s2 =	simm.s32 @!p0 $0x1C09  }
0x2be: {  	[timem:s3], [sflag:s2] =	dma.local @!p0 [hbm:s0], s1  }
0x2bf: {  	s0 =	simm.s32 @!p0 $0x9  }
0x2c0: {  	_ =	swait.ge @!p0 [sflag:s0], s1  }
0x2c1: {  	s1 =	ssub.s32 @!p0 $0x0, s1;
	[sflag:s0] =	ssyncset.done @!p0 $0x0  }
0x2c2: {  	[sflag:s0] =	ssyncadd.s32 @!p0 s1  }
0x2c3: {  	[bflag:$0x3] =	sbarrier.arrive $0xFFFF  }
0x2c4: {  	_ =	shalt  }

</sc_bundles>
